<compile_context>
chip_gen: v7x
topology: tpu7x:2x2x1
jax: 0.10.2.dev20260603
libtpu: 0.0.44.dev20260713+nightly
codegen_flags: <defaults>
</compile_context>

<pallas_src>
import functools

import jax
import jax.numpy as jnp
from jax import lax
from jax.experimental import pallas as pl
from jax.experimental.pallas import tpu as pltpu
from jax.experimental.pallas import tpu_sc as plsc

_NC = 2
_NS = 16
_NW = _NC * _NS


def _sc_gather(row_tab, col_tab, fidx_t, cidx_t, rmask_t, cmask_t, B, D):
    S = 2 * B
    CH = S // _NW
    NH = CH // 128

    mesh = plsc.VectorSubcoreMesh(core_axis_name="c", subcore_axis_name="s")

    @functools.partial(
        pl.kernel,
        mesh=mesh,
        out_type=jax.ShapeDtypeStruct((S, D), jnp.float32),
        scratch_types=[
            pltpu.VMEM((CH,), jnp.int32),
            pltpu.VMEM((CH,), jnp.int32),
            pltpu.VMEM((CH,), jnp.float32),
            pltpu.VMEM((CH,), jnp.float32),
            pltpu.VMEM((CH, D), jnp.float32),
            pltpu.VMEM((CH, D), jnp.float32),
            pltpu.VMEM((CH, D), jnp.float32),
            pltpu.SemaphoreType.DMA,
            pltpu.SemaphoreType.DMA,
            pltpu.SemaphoreType.DMA,
            pltpu.SemaphoreType.DMA,
            pltpu.SemaphoreType.DMA,
        ],
    )
    def sc_body(row_hbm, col_hbm, fidx_hbm, cidx_hbm, rmask_hbm, cmask_hbm,
                emb_out,
                fidx_v, cidx_v, rmask_v, cmask_v,
                rows_v, cols_v, emb_v, semr0, semc0, semr1, semc1, semo):
        wid = lax.axis_index("s") * _NC + lax.axis_index("c")
        base = wid * CH

        pltpu.sync_copy(fidx_hbm.at[pl.ds(base, CH)], fidx_v)
        pltpu.sync_copy(cidx_hbm.at[pl.ds(base, CH)], cidx_v)

        sems = [(semr0, semc0), (semr1, semc1)]
        gcps = []
        for h in range(NH):
            hs = pl.ds(h * 128, 128)
            sr, sc = sems[h]
            gcps.append((pltpu.async_copy(row_hbm.at[fidx_v.at[hs]],
                                          rows_v.at[hs], sr),
                         pltpu.async_copy(col_hbm.at[cidx_v.at[hs]],
                                          cols_v.at[hs], sc)))

        pltpu.sync_copy(rmask_hbm.at[pl.ds(base, CH)], rmask_v)
        pltpu.sync_copy(cmask_hbm.at[pl.ds(base, CH)], cmask_v)

        dnums = lax.GatherDimensionNumbers(
            offset_dims=(), collapsed_slice_dims=(0,), start_index_map=(0,))

        def mask_sum_half(h):
            @plsc.parallel_loop(h * 128, (h + 1) * 128, unroll=4)
            def row_body(r):
                g16 = jnp.bitwise_and(r, ~jnp.int32(15))
                rl = jnp.bitwise_and(r, 15)
                gs = pl.ds(pl.multiple_of(g16, 16), 16)
                splat = jnp.broadcast_to(rl, (16,)).reshape(16, 1)
                mr = lax.gather(
                    rmask_v[gs], splat, dnums, (1,),
                    mode=lax.GatherScatterMode.PROMISE_IN_BOUNDS)
                mc = lax.gather(
                    cmask_v[gs], splat, dnums, (1,),
                    mode=lax.GatherScatterMode.PROMISE_IN_BOUNDS)
                for j in range(D // 16):
                    cs = pl.ds(j * 16, 16)
                    emb_v[r, cs] = rows_v[r, cs] * mr + cols_v[r, cs] * mc

        ocps = []
        for h in range(NH):
            cr, cc = gcps[h]
            cr.wait()
            cc.wait()
            mask_sum_half(h)
            hs = pl.ds(h * 128, 128)
            ocps.append(pltpu.async_copy(
                emb_v.at[hs], emb_out.at[pl.ds(base + h * 128, 128)], semo))
        for cp in ocps:
            cp.wait()

    return sc_body(row_tab, col_tab, fidx_t, cidx_t, rmask_t, cmask_t)


def _tc_combine(emb, W, B, D):
    BM = 512
    emb2 = emb.reshape(2, B, D)

    def tc_body(r_ref, w_ref, out_ref):
        w = w_ref[...]
        acc = lax.dot_general(r_ref[0], w[:, :D], (((1,), (1,)), ((), ())),
                              preferred_element_type=jnp.float32)
        acc = acc + lax.dot_general(r_ref[1], w[:, D:], (((1,), (1,)), ((), ())),
                                    preferred_element_type=jnp.float32)
        out_ref[...] = acc

    return pl.pallas_call(
        tc_body,
        grid=(B // BM,),
        in_specs=[
            pl.BlockSpec((2, BM, D), lambda i: (0, i, 0)),
            pl.BlockSpec((D, 2 * D), lambda i: (0, 0)),
        ],
        out_specs=pl.BlockSpec((BM, D), lambda i: (i, 0)),
        out_shape=jax.ShapeDtypeStruct((B, D), jnp.float32),
        compiler_params=pltpu.CompilerParams(
            dimension_semantics=("arbitrary",),
            vmem_limit_bytes=2 * 1024 * 1024,
        ),
    )(emb2, W)


@jax.jit
def _run(encoded_row, encoded_col, W, robot_lot_idx, robot_lot_step, flow,
         num_lot_type, num_step):
    B, R, D = encoded_row.shape
    C = encoded_col.shape[1]

    row_tab = encoded_row.reshape(B * R, D)
    col_tab = encoded_col.reshape(B * C, D)
    lot = robot_lot_idx.astype(jnp.int32)
    step = robot_lot_step.astype(jnp.int32)

    lot_t = lot.T.reshape(-1)
    step_t = step.T.reshape(-1)
    b_t = jnp.bitwise_and(jnp.arange(2 * B, dtype=jnp.int32), B - 1)
    valid = lot_t <= num_lot_type
    lf_t = jnp.where(valid, lot_t, 0)
    rmask_t = valid.astype(jnp.float32)
    fidx_t = b_t * R + lf_t
    ns_t = step_t + 1
    dns_t = jnp.where(ns_t > num_step, 0, ns_t)
    stage_t = flow[b_t, lf_t, dns_t].astype(jnp.int32)
    live = jnp.logical_and(dns_t > 0,
                           jnp.logical_and(stage_t >= 1, stage_t <= C))
    cidx_t = b_t * C + jnp.where(live, stage_t - 1, 0)
    cmask_t = live.astype(jnp.float32)

    emb = _sc_gather(row_tab, col_tab, fidx_t, cidx_t, rmask_t, cmask_t,
                     B, D)
    return _tc_combine(emb, W, B, D)


def kernel(encoded_row, encoded_col, W, robot_lot_idx, robot_lot_step, flow,
           num_lot_type, num_step):
    return _run(encoded_row, encoded_col, W, robot_lot_idx, robot_lot_step,
                flow, num_lot_type, num_step)

# --- scband reference (transcript-rebuilt; emitter-appended) ---
"""Pipeline reference for scband-dual-armed-robot-context-7447473291819 (READ-ONLY COPY).

The authoritative reference and input builder live on the scoring server;
editing this copy changes nothing except your own understanding.
"""

import jax, jax.numpy as jnp
import numpy as np


def setup_inputs(seed: int = 0) -> dict:
    key = jax.random.key(seed)
    ks = jax.random.split(key, 6)
    B, R, C, D = 4096, 64, 64, 128
    encoded_row = jax.random.normal(ks[0], (B, R, D), dtype=jnp.float32)
    encoded_col = jax.random.normal(ks[1], (B, C, D), dtype=jnp.float32)
    robot_lot_idx = jax.random.randint(ks[2], (B, 2), 0, 70)
    robot_lot_step = jax.random.randint(ks[3], (B, 2), 0, 30)
    flow = jax.random.randint(ks[4], (B, 64, 32), 0, C + 2)
    W = jax.random.normal(ks[5], (D, 2 * D), dtype=jnp.float32) / jnp.sqrt(2.0 * D)
    return {
        "encoded_row": encoded_row,
        "encoded_col": encoded_col,
        "W": W,
        "robot_lot_idx": robot_lot_idx,
        "robot_lot_step": robot_lot_step,
        "flow": flow,
        "num_lot_type": 60,
        "num_step": 25,
    }


def reference(encoded_row, encoded_col, W, robot_lot_idx, robot_lot_step, flow, num_lot_type, num_step):
    B, R, D = encoded_row.shape
    # encoded_row with trailing dummy row (index R)
    row_dummy = jnp.concatenate([encoded_row, jnp.zeros((B, 1, D), encoded_row.dtype)], axis=1)
    lot_dummy_idx = jnp.where(robot_lot_idx <= num_lot_type, robot_lot_idx, R)  # [B, 2]
    robot_lot_embed = jnp.take_along_axis(row_dummy, lot_dummy_idx[:, :, None], axis=1)  # [B, 2, D]
    # next stage lookup via flow table
    next_step = robot_lot_step + 1
    dummy_wafer = next_step > num_step  # [B, 2]
    dummy_next_step = jnp.where(~dummy_wafer, next_step, 0)
    lot_idx_flow = jnp.where(robot_lot_idx <= num_lot_type, robot_lot_idx, 0)
    batch_idx = jnp.arange(B)[:, None]
    next_stage = flow[batch_idx, lot_idx_flow, dummy_next_step]  # [B, 2]
    # encoded_col with leading and trailing dummy rows
    zcol = jnp.zeros((B, 1, D), encoded_col.dtype)
    col_dummy = jnp.concatenate([zcol, encoded_col, zcol], axis=1)  # [B, C+2, D]
    next_stage_embed = jnp.take_along_axis(col_dummy, next_stage[:, :, None], axis=1)  # [B, 2, D]
    next_stage_embed = jnp.where(dummy_wafer[:, :, None], 0.0, next_stage_embed)
    robot_embedding = (robot_lot_embed + next_stage_embed).reshape(B, -1)  # [B, 2D]
    robot_context = robot_embedding @ W.T  # [B, D]
    return robot_context

if __name__ == "__main__":
    import jax
    _d = setup_inputs()
    print(jax.jit(kernel)(*tuple(_d.values())))

</pallas_src>

<mosaic_0001>
#map = affine_map<(d0, d1) -> (0, 0)>
#map1 = affine_map<(d0, d1) -> (0)>
module attributes {stable_mosaic.version = 14 : i64} {
  func.func @sc_body(%arg0: i32, %arg1: i32, %arg2: memref<262144x128xf32, #tpu.memory_space<hbm>>, %arg3: memref<262144x128xf32, #tpu.memory_space<hbm>>, %arg4: memref<8192xi32, #tpu.memory_space<hbm>>, %arg5: memref<8192xi32, #tpu.memory_space<hbm>>, %arg6: memref<8192xf32, #tpu.memory_space<hbm>>, %arg7: memref<8192xf32, #tpu.memory_space<hbm>>, %arg8: memref<8192x128xf32, #tpu.memory_space<hbm>>, %arg9: memref<256xi32, #tpu.memory_space<vmem>>, %arg10: memref<256xi32, #tpu.memory_space<vmem>>, %arg11: memref<256xf32, #tpu.memory_space<vmem>>, %arg12: memref<256xf32, #tpu.memory_space<vmem>>, %arg13: memref<256x128xf32, #tpu.memory_space<vmem>>, %arg14: memref<256x128xf32, #tpu.memory_space<vmem>>, %arg15: memref<256x128xf32, #tpu.memory_space<vmem>>, %arg16: memref<!tpu.dma_semaphore, #tpu.memory_space<semaphore_mem>>, %arg17: memref<!tpu.dma_semaphore, #tpu.memory_space<semaphore_mem>>, %arg18: memref<!tpu.dma_semaphore, #tpu.memory_space<semaphore_mem>>, %arg19: memref<!tpu.dma_semaphore, #tpu.memory_space<semaphore_mem>>, %arg20: memref<!tpu.dma_semaphore, #tpu.memory_space<semaphore_mem>>) attributes {dimension_semantics = [#tpu.dimension_semantics<core_parallel>, #tpu.dimension_semantics<subcore_parallel>], iteration_bounds = array<i64: 2, 16>, scalar_prefetch = 0 : i64, scratch_operands = 12 : i64, tpu.core_type = #tpu.core_type<sc_vector_subcore>, window_params = [{transform_indices = #map}, {transform_indices = #map}, {transform_indices = #map1}, {transform_indices = #map1}, {transform_indices = #map1}, {transform_indices = #map1}, {transform_indices = #map}]} {
    %mul3A = arith.constant 2 : i32
    %mul3A_0 = arith.muli %arg1, %mul3A : i32
    %add3A = arith.addi %mul3A_0, %arg0 : i32
    %mul3A_1 = arith.constant 256 : i32
    %mul3A_2 = arith.muli %add3A, %mul3A_1 : i32
    "tpu.region"() ({
      %run_scoped3A = tpu.sem_alloc : memref<!tpu.dma_semaphore, #tpu.memory_space<semaphore_mem>>
      %dma_start3A_114 = tpu.memref_slice %arg4[%mul3A_2] : memref<8192xi32, #tpu.memory_space<hbm>> -> memref<256xi32, #tpu.memory_space<hbm>>
      %dma_start3A_115 = tpu.memref_slice %arg4[%mul3A_2] : memref<8192xi32, #tpu.memory_space<hbm>> -> memref<256xi32, #tpu.memory_space<hbm>>
      tpu.enqueue_dma source(%dma_start3A_115 : memref<256xi32, #tpu.memory_space<hbm>>) target(%arg9 : memref<256xi32, #tpu.memory_space<vmem>>) target_semaphore(%run_scoped3A : memref<!tpu.dma_semaphore, #tpu.memory_space<semaphore_mem>>)
      %dma_wait3A_116 = tpu.memref_slice %arg4[%mul3A_2] : memref<8192xi32, #tpu.memory_space<hbm>> -> memref<256xi32, #tpu.memory_space<hbm>>
      %dma_wait3A_117 = tpu.memref_slice %arg4[%mul3A_2] : memref<8192xi32, #tpu.memory_space<hbm>> -> memref<256xi32, #tpu.memory_space<hbm>>
      tpu.wait_dma2 semaphore(%run_scoped3A : memref<!tpu.dma_semaphore, #tpu.memory_space<semaphore_mem>>) src(%dma_wait3A_117 : memref<256xi32, #tpu.memory_space<hbm>>) dst(%arg9 : memref<256xi32, #tpu.memory_space<vmem>>)
      tpu.yield
    }) : () -> ()
    "tpu.region"() ({
      %run_scoped3A = tpu.sem_alloc : memref<!tpu.dma_semaphore, #tpu.memory_space<semaphore_mem>>
      %dma_start3A_114 = tpu.memref_slice %arg5[%mul3A_2] : memref<8192xi32, #tpu.memory_space<hbm>> -> memref<256xi32, #tpu.memory_space<hbm>>
      %dma_start3A_115 = tpu.memref_slice %arg5[%mul3A_2] : memref<8192xi32, #tpu.memory_space<hbm>> -> memref<256xi32, #tpu.memory_space<hbm>>
      tpu.enqueue_dma source(%dma_start3A_115 : memref<256xi32, #tpu.memory_space<hbm>>) target(%arg10 : memref<256xi32, #tpu.memory_space<vmem>>) target_semaphore(%run_scoped3A : memref<!tpu.dma_semaphore, #tpu.memory_space<semaphore_mem>>)
      %dma_wait3A_116 = tpu.memref_slice %arg5[%mul3A_2] : memref<8192xi32, #tpu.memory_space<hbm>> -> memref<256xi32, #tpu.memory_space<hbm>>
      %dma_wait3A_117 = tpu.memref_slice %arg5[%mul3A_2] : memref<8192xi32, #tpu.memory_space<hbm>> -> memref<256xi32, #tpu.memory_space<hbm>>
      tpu.wait_dma2 semaphore(%run_scoped3A : memref<!tpu.dma_semaphore, #tpu.memory_space<semaphore_mem>>) src(%dma_wait3A_117 : memref<256xi32, #tpu.memory_space<hbm>>) dst(%arg10 : memref<256xi32, #tpu.memory_space<vmem>>)
      tpu.yield
    }) : () -> ()
    %dma_start3A = arith.constant 0 : i32
    %dma_start3A_3 = arith.constant 0 : i32
    %dma_start3A_4 = tpu.memref_slice %arg13[%dma_start3A, %dma_start3A_3] : memref<256x128xf32, #tpu.memory_space<vmem>> -> memref<128x128xf32, #tpu.memory_space<vmem>>
    %dma_start3A_5 = arith.constant 0 : i32
    %dma_start3A_6 = tpu.memref_slice %arg9[%dma_start3A_5] : memref<256xi32, #tpu.memory_space<vmem>> -> memref<128xi32, #tpu.memory_space<vmem>>
    %dma_start3A_7 = arith.constant 0 : i32
    %dma_start3A_8 = arith.constant 0 : i32
    %dma_start3A_9 = tpu.memref_slice %arg2[%dma_start3A_7, %dma_start3A_8] : memref<262144x128xf32, #tpu.memory_space<hbm>> -> memref<262144x128xf32, #tpu.memory_space<hbm>>
    tpu.enqueue_indirect_dma source(%dma_start3A_9 : memref<262144x128xf32, #tpu.memory_space<hbm>>) target(%dma_start3A_4 : memref<128x128xf32, #tpu.memory_space<vmem>>) offsets(%dma_start3A_6 : memref<128xi32, #tpu.memory_space<vmem>>) semaphore(%arg16 : memref<!tpu.dma_semaphore, #tpu.memory_space<semaphore_mem>>)
    %dma_start3A_10 = arith.constant 0 : i32
    %dma_start3A_11 = arith.constant 0 : i32
    %dma_start3A_12 = tpu.memref_slice %arg14[%dma_start3A_10, %dma_start3A_11] : memref<256x128xf32, #tpu.memory_space<vmem>> -> memref<128x128xf32, #tpu.memory_space<vmem>>
    %dma_start3A_13 = arith.constant 0 : i32
    %dma_start3A_14 = tpu.memref_slice %arg10[%dma_start3A_13] : memref<256xi32, #tpu.memory_space<vmem>> -> memref<128xi32, #tpu.memory_space<vmem>>
    %dma_start3A_15 = arith.constant 0 : i32
    %dma_start3A_16 = arith.constant 0 : i32
    %dma_start3A_17 = tpu.memref_slice %arg3[%dma_start3A_15, %dma_start3A_16] : memref<262144x128xf32, #tpu.memory_space<hbm>> -> memref<262144x128xf32, #tpu.memory_space<hbm>>
    tpu.enqueue_indirect_dma source(%dma_start3A_17 : memref<262144x128xf32, #tpu.memory_space<hbm>>) target(%dma_start3A_12 : memref<128x128xf32, #tpu.memory_space<vmem>>) offsets(%dma_start3A_14 : memref<128xi32, #tpu.memory_space<vmem>>) semaphore(%arg17 : memref<!tpu.dma_semaphore, #tpu.memory_space<semaphore_mem>>)
    %dma_start3A_18 = arith.constant 128 : i32
    %dma_start3A_19 = arith.constant 0 : i32
    %dma_start3A_20 = tpu.memref_slice %arg13[%dma_start3A_18, %dma_start3A_19] : memref<256x128xf32, #tpu.memory_space<vmem>> -> memref<128x128xf32, #tpu.memory_space<vmem>>
    %dma_start3A_21 = arith.constant 128 : i32
    %dma_start3A_22 = tpu.memref_slice %arg9[%dma_start3A_21] : memref<256xi32, #tpu.memory_space<vmem>> -> memref<128xi32, #tpu.memory_space<vmem>>
    %dma_start3A_23 = arith.constant 0 : i32
    %dma_start3A_24 = arith.constant 0 : i32
    %dma_start3A_25 = tpu.memref_slice %arg2[%dma_start3A_23, %dma_start3A_24] : memref<262144x128xf32, #tpu.memory_space<hbm>> -> memref<262144x128xf32, #tpu.memory_space<hbm>>
    tpu.enqueue_indirect_dma source(%dma_start3A_25 : memref<262144x128xf32, #tpu.memory_space<hbm>>) target(%dma_start3A_20 : memref<128x128xf32, #tpu.memory_space<vmem>>) offsets(%dma_start3A_22 : memref<128xi32, #tpu.memory_space<vmem>>) semaphore(%arg18 : memref<!tpu.dma_semaphore, #tpu.memory_space<semaphore_mem>>)
    %dma_start3A_26 = arith.constant 128 : i32
    %dma_start3A_27 = arith.constant 0 : i32
    %dma_start3A_28 = tpu.memref_slice %arg14[%dma_start3A_26, %dma_start3A_27] : memref<256x128xf32, #tpu.memory_space<vmem>> -> memref<128x128xf32, #tpu.memory_space<vmem>>
    %dma_start3A_29 = arith.constant 128 : i32
    %dma_start3A_30 = tpu.memref_slice %arg10[%dma_start3A_29] : memref<256xi32, #tpu.memory_space<vmem>> -> memref<128xi32, #tpu.memory_space<vmem>>
    %dma_start3A_31 = arith.constant 0 : i32
    %dma_start3A_32 = arith.constant 0 : i32
    %dma_start3A_33 = tpu.memref_slice %arg3[%dma_start3A_31, %dma_start3A_32] : memref<262144x128xf32, #tpu.memory_space<hbm>> -> memref<262144x128xf32, #tpu.memory_space<hbm>>
    tpu.enqueue_indirect_dma source(%dma_start3A_33 : memref<262144x128xf32, #tpu.memory_space<hbm>>) target(%dma_start3A_28 : memref<128x128xf32, #tpu.memory_space<vmem>>) offsets(%dma_start3A_30 : memref<128xi32, #tpu.memory_space<vmem>>) semaphore(%arg19 : memref<!tpu.dma_semaphore, #tpu.memory_space<semaphore_mem>>)
    "tpu.region"() ({
      %run_scoped3A = tpu.sem_alloc : memref<!tpu.dma_semaphore, #tpu.memory_space<semaphore_mem>>
      %dma_start3A_114 = tpu.memref_slice %arg6[%mul3A_2] : memref<8192xf32, #tpu.memory_space<hbm>> -> memref<256xf32, #tpu.memory_space<hbm>>
      %dma_start3A_115 = tpu.memref_slice %arg6[%mul3A_2] : memref<8192xf32, #tpu.memory_space<hbm>> -> memref<256xf32, #tpu.memory_space<hbm>>
      tpu.enqueue_dma source(%dma_start3A_115 : memref<256xf32, #tpu.memory_space<hbm>>) target(%arg11 : memref<256xf32, #tpu.memory_space<vmem>>) target_semaphore(%run_scoped3A : memref<!tpu.dma_semaphore, #tpu.memory_space<semaphore_mem>>)
      %dma_wait3A_116 = tpu.memref_slice %arg6[%mul3A_2] : memref<8192xf32, #tpu.memory_space<hbm>> -> memref<256xf32, #tpu.memory_space<hbm>>
      %dma_wait3A_117 = tpu.memref_slice %arg6[%mul3A_2] : memref<8192xf32, #tpu.memory_space<hbm>> -> memref<256xf32, #tpu.memory_space<hbm>>
      tpu.wait_dma2 semaphore(%run_scoped3A : memref<!tpu.dma_semaphore, #tpu.memory_space<semaphore_mem>>) src(%dma_wait3A_117 : memref<256xf32, #tpu.memory_space<hbm>>) dst(%arg11 : memref<256xf32, #tpu.memory_space<vmem>>)
      tpu.yield
    }) : () -> ()
    "tpu.region"() ({
      %run_scoped3A = tpu.sem_alloc : memref<!tpu.dma_semaphore, #tpu.memory_space<semaphore_mem>>
      %dma_start3A_114 = tpu.memref_slice %arg7[%mul3A_2] : memref<8192xf32, #tpu.memory_space<hbm>> -> memref<256xf32, #tpu.memory_space<hbm>>
      %dma_start3A_115 = tpu.memref_slice %arg7[%mul3A_2] : memref<8192xf32, #tpu.memory_space<hbm>> -> memref<256xf32, #tpu.memory_space<hbm>>
      tpu.enqueue_dma source(%dma_start3A_115 : memref<256xf32, #tpu.memory_space<hbm>>) target(%arg12 : memref<256xf32, #tpu.memory_space<vmem>>) target_semaphore(%run_scoped3A : memref<!tpu.dma_semaphore, #tpu.memory_space<semaphore_mem>>)
      %dma_wait3A_116 = tpu.memref_slice %arg7[%mul3A_2] : memref<8192xf32, #tpu.memory_space<hbm>> -> memref<256xf32, #tpu.memory_space<hbm>>
      %dma_wait3A_117 = tpu.memref_slice %arg7[%mul3A_2] : memref<8192xf32, #tpu.memory_space<hbm>> -> memref<256xf32, #tpu.memory_space<hbm>>
      tpu.wait_dma2 semaphore(%run_scoped3A : memref<!tpu.dma_semaphore, #tpu.memory_space<semaphore_mem>>) src(%dma_wait3A_117 : memref<256xf32, #tpu.memory_space<hbm>>) dst(%arg12 : memref<256xf32, #tpu.memory_space<vmem>>)
      tpu.yield
    }) : () -> ()
    %dma_wait3A = arith.constant 0 : i32
    %dma_wait3A_34 = arith.constant 0 : i32
    %dma_wait3A_35 = tpu.memref_slice %arg13[%dma_wait3A, %dma_wait3A_34] : memref<256x128xf32, #tpu.memory_space<vmem>> -> memref<128x128xf32, #tpu.memory_space<vmem>>
    %dma_wait3A_36 = arith.constant 0 : i32
    %dma_wait3A_37 = tpu.memref_slice %arg9[%dma_wait3A_36] : memref<256xi32, #tpu.memory_space<vmem>> -> memref<128xi32, #tpu.memory_space<vmem>>
    %dma_wait3A_38 = arith.constant 0 : i32
    %dma_wait3A_39 = arith.constant 0 : i32
    %dma_wait3A_40 = tpu.memref_slice %arg2[%dma_wait3A_38, %dma_wait3A_39] : memref<262144x128xf32, #tpu.memory_space<hbm>> -> memref<262144x128xf32, #tpu.memory_space<hbm>>
    tpu.wait_indirect_dma semaphore(%arg16 : memref<!tpu.dma_semaphore, #tpu.memory_space<semaphore_mem>>) src(%dma_wait3A_40 : memref<262144x128xf32, #tpu.memory_space<hbm>>) dst(%dma_wait3A_35 : memref<128x128xf32, #tpu.memory_space<vmem>>)
    %dma_wait3A_41 = arith.constant 0 : i32
    %dma_wait3A_42 = arith.constant 0 : i32
    %dma_wait3A_43 = tpu.memref_slice %arg14[%dma_wait3A_41, %dma_wait3A_42] : memref<256x128xf32, #tpu.memory_space<vmem>> -> memref<128x128xf32, #tpu.memory_space<vmem>>
    %dma_wait3A_44 = arith.constant 0 : i32
    %dma_wait3A_45 = tpu.memref_slice %arg10[%dma_wait3A_44] : memref<256xi32, #tpu.memory_space<vmem>> -> memref<128xi32, #tpu.memory_space<vmem>>
    %dma_wait3A_46 = arith.constant 0 : i32
    %dma_wait3A_47 = arith.constant 0 : i32
    %dma_wait3A_48 = tpu.memref_slice %arg3[%dma_wait3A_46, %dma_wait3A_47] : memref<262144x128xf32, #tpu.memory_space<hbm>> -> memref<262144x128xf32, #tpu.memory_space<hbm>>
    tpu.wait_indirect_dma semaphore(%arg17 : memref<!tpu.dma_semaphore, #tpu.memory_space<semaphore_mem>>) src(%dma_wait3A_48 : memref<262144x128xf32, #tpu.memory_space<hbm>>) dst(%dma_wait3A_43 : memref<128x128xf32, #tpu.memory_space<vmem>>)
    %parallel_loop3A = arith.constant 0 : i32
    %parallel_loop3A_49 = arith.constant 128 : i32
    %parallel_loop3A_50 = arith.constant 1 : i32
    scf.for %parallel_loop3A_114 = %parallel_loop3A to %parallel_loop3A_49 step %parallel_loop3A_50  : i32 {
      %parallel_loop3A_115 = arith.constant 15 : i32
      %parallel_loop3A_116 = arith.constant -1 : i32
      %parallel_loop3A_117 = arith.xori %parallel_loop3A_115, %parallel_loop3A_116 : i32
      %parallel_loop3A_118 = arith.andi %parallel_loop3A_114, %parallel_loop3A_117 : i32
      %parallel_loop3A_119 = arith.constant 15 : i32
      %parallel_loop3A_120 = arith.andi %parallel_loop3A_114, %parallel_loop3A_119 : i32
      %parallel_loop3A_121 = tpu.assume_multiple %parallel_loop3A_118, 16 : i32
      %parallel_loop3A_122 = vector.broadcast %parallel_loop3A_120 : i32 to vector<16xi32>
      %parallel_loop3A_123 = vector.shape_cast %parallel_loop3A_122 : vector<16xi32> to vector<16x1xi32>
      %parallel_loop3A_124 = arith.index_cast %parallel_loop3A_121 : i32 to index
      %parallel_loop3A_125 = tpu.vector_load %arg11[%parallel_loop3A_124] {strides = array<i32>} : memref<256xf32, #tpu.memory_space<vmem>>, vector<16xf32>,
      %parallel_loop3A_126 = vector.shape_cast %parallel_loop3A_125 : vector<16xf32> to vector<16xf32>
      %parallel_loop3A_127 = vector.shape_cast %parallel_loop3A_123 : vector<16x1xi32> to vector<16xi32>
      %parallel_loop3A_128 = tpu.dynamic_gather %parallel_loop3A_126[%parallel_loop3A_127] in [0] : vector<16xf32>, vector<16xi32> -> vector<16xf32>
      %parallel_loop3A_129 = arith.index_cast %parallel_loop3A_121 : i32 to index
      %parallel_loop3A_130 = tpu.vector_load %arg12[%parallel_loop3A_129] {strides = array<i32>} : memref<256xf32, #tpu.memory_space<vmem>>, vector<16xf32>,
      %parallel_loop3A_131 = vector.shape_cast %parallel_loop3A_130 : vector<16xf32> to vector<16xf32>
      %parallel_loop3A_132 = vector.shape_cast %parallel_loop3A_123 : vector<16x1xi32> to vector<16xi32>
      %parallel_loop3A_133 = tpu.dynamic_gather %parallel_loop3A_131[%parallel_loop3A_132] in [0] : vector<16xf32>, vector<16xi32> -> vector<16xf32>
      %parallel_loop3A_134 = arith.index_cast %parallel_loop3A_114 : i32 to index
      %parallel_loop3A_135 = arith.constant 0 : index
      %parallel_loop3A_136 = tpu.vector_load %arg13[%parallel_loop3A_134, %parallel_loop3A_135] {strides = array<i32>} : memref<256x128xf32, #tpu.memory_space<vmem>>, vector<1x16xf32>,
      %parallel_loop3A_137 = vector.shape_cast %parallel_loop3A_136 : vector<1x16xf32> to vector<16xf32>
      %parallel_loop3A_138 = arith.mulf %parallel_loop3A_137, %parallel_loop3A_128 : vector<16xf32>
      %parallel_loop3A_139 = arith.index_cast %parallel_loop3A_114 : i32 to index
      %parallel_loop3A_140 = arith.constant 0 : index
      %parallel_loop3A_141 = tpu.vector_load %arg14[%parallel_loop3A_139, %parallel_loop3A_140] {strides = array<i32>} : memref<256x128xf32, #tpu.memory_space<vmem>>, vector<1x16xf32>,
      %parallel_loop3A_142 = vector.shape_cast %parallel_loop3A_141 : vector<1x16xf32> to vector<16xf32>
      %parallel_loop3A_143 = arith.mulf %parallel_loop3A_142, %parallel_loop3A_133 : vector<16xf32>
      %parallel_loop3A_144 = arith.addf %parallel_loop3A_138, %parallel_loop3A_143 : vector<16xf32>
      %parallel_loop3A_145 = arith.index_cast %parallel_loop3A_114 : i32 to index
      %parallel_loop3A_146 = arith.constant 0 : index
      %parallel_loop3A_147 = tpu.vector_load %arg15[%parallel_loop3A_145, %parallel_loop3A_146] {strides = array<i32>} : memref<256x128xf32, #tpu.memory_space<vmem>>, vector<1x16xf32>,
      %parallel_loop3A_148 = vector.shape_cast %parallel_loop3A_147 : vector<1x16xf32> to vector<16xf32>
      %parallel_loop3A_149 = vector.shape_cast %parallel_loop3A_144 : vector<16xf32> to vector<1x16xf32>
      tpu.vector_store %arg15[%parallel_loop3A_145, %parallel_loop3A_146], %parallel_loop3A_149 {strides = array<i32>} : memref<256x128xf32, #tpu.memory_space<vmem>>, vector<1x16xf32>,
      %parallel_loop3A_150 = arith.index_cast %parallel_loop3A_114 : i32 to index
      %parallel_loop3A_151 = arith.constant 16 : index
      %parallel_loop3A_152 = tpu.vector_load %arg13[%parallel_loop3A_150, %parallel_loop3A_151] {strides = array<i32>} : memref<256x128xf32, #tpu.memory_space<vmem>>, vector<1x16xf32>,
      %parallel_loop3A_153 = vector.shape_cast %parallel_loop3A_152 : vector<1x16xf32> to vector<16xf32>
      %parallel_loop3A_154 = arith.mulf %parallel_loop3A_153, %parallel_loop3A_128 : vector<16xf32>
      %parallel_loop3A_155 = arith.index_cast %parallel_loop3A_114 : i32 to index
      %parallel_loop3A_156 = arith.constant 16 : index
      %parallel_loop3A_157 = tpu.vector_load %arg14[%parallel_loop3A_155, %parallel_loop3A_156] {strides = array<i32>} : memref<256x128xf32, #tpu.memory_space<vmem>>, vector<1x16xf32>,
      %parallel_loop3A_158 = vector.shape_cast %parallel_loop3A_157 : vector<1x16xf32> to vector<16xf32>
      %parallel_loop3A_159 = arith.mulf %parallel_loop3A_158, %parallel_loop3A_133 : vector<16xf32>
      %parallel_loop3A_160 = arith.addf %parallel_loop3A_154, %parallel_loop3A_159 : vector<16xf32>
      %parallel_loop3A_161 = arith.index_cast %parallel_loop3A_114 : i32 to index
      %parallel_loop3A_162 = arith.constant 16 : index
      %parallel_loop3A_163 = tpu.vector_load %arg15[%parallel_loop3A_161, %parallel_loop3A_162] {strides = array<i32>} : memref<256x128xf32, #tpu.memory_space<vmem>>, vector<1x16xf32>,
      %parallel_loop3A_164 = vector.shape_cast %parallel_loop3A_163 : vector<1x16xf32> to vector<16xf32>
      %parallel_loop3A_165 = vector.shape_cast %parallel_loop3A_160 : vector<16xf32> to vector<1x16xf32>
      tpu.vector_store %arg15[%parallel_loop3A_161, %parallel_loop3A_162], %parallel_loop3A_165 {strides = array<i32>} : memref<256x128xf32, #tpu.memory_space<vmem>>, vector<1x16xf32>,
      %parallel_loop3A_166 = arith.index_cast %parallel_loop3A_114 : i32 to index
      %parallel_loop3A_167 = arith.constant 32 : index
      %parallel_loop3A_168 = tpu.vector_load %arg13[%parallel_loop3A_166, %parallel_loop3A_167] {strides = array<i32>} : memref<256x128xf32, #tpu.memory_space<vmem>>, vector<1x16xf32>,
      %parallel_loop3A_169 = vector.shape_cast %parallel_loop3A_168 : vector<1x16xf32> to vector<16xf32>
      %parallel_loop3A_170 = arith.mulf %parallel_loop3A_169, %parallel_loop3A_128 : vector<16xf32>
      %parallel_loop3A_171 = arith.index_cast %parallel_loop3A_114 : i32 to index
      %parallel_loop3A_172 = arith.constant 32 : index
      %parallel_loop3A_173 = tpu.vector_load %arg14[%parallel_loop3A_171, %parallel_loop3A_172] {strides = array<i32>} : memref<256x128xf32, #tpu.memory_space<vmem>>, vector<1x16xf32>,
      %parallel_loop3A_174 = vector.shape_cast %parallel_loop3A_173 : vector<1x16xf32> to vector<16xf32>
      %parallel_loop3A_175 = arith.mulf %parallel_loop3A_174, %parallel_loop3A_133 : vector<16xf32>
      %parallel_loop3A_176 = arith.addf %parallel_loop3A_170, %parallel_loop3A_175 : vector<16xf32>
      %parallel_loop3A_177 = arith.index_cast %parallel_loop3A_114 : i32 to index
      %parallel_loop3A_178 = arith.constant 32 : index
      %parallel_loop3A_179 = tpu.vector_load %arg15[%parallel_loop3A_177, %parallel_loop3A_178] {strides = array<i32>} : memref<256x128xf32, #tpu.memory_space<vmem>>, vector<1x16xf32>,
      %parallel_loop3A_180 = vector.shape_cast %parallel_loop3A_179 : vector<1x16xf32> to vector<16xf32>
      %parallel_loop3A_181 = vector.shape_cast %parallel_loop3A_176 : vector<16xf32> to vector<1x16xf32>
      tpu.vector_store %arg15[%parallel_loop3A_177, %parallel_loop3A_178], %parallel_loop3A_181 {strides = array<i32>} : memref<256x128xf32, #tpu.memory_space<vmem>>, vector<1x16xf32>,
      %parallel_loop3A_182 = arith.index_cast %parallel_loop3A_114 : i32 to index
      %parallel_loop3A_183 = arith.constant 48 : index
      %parallel_loop3A_184 = tpu.vector_load %arg13[%parallel_loop3A_182, %parallel_loop3A_183] {strides = array<i32>} : memref<256x128xf32, #tpu.memory_space<vmem>>, vector<1x16xf32>,
      %parallel_loop3A_185 = vector.shape_cast %parallel_loop3A_184 : vector<1x16xf32> to vector<16xf32>
      %parallel_loop3A_186 = arith.mulf %parallel_loop3A_185, %parallel_loop3A_128 : vector<16xf32>
      %parallel_loop3A_187 = arith.index_cast %parallel_loop3A_114 : i32 to index
      %parallel_loop3A_188 = arith.constant 48 : index
      %parallel_loop3A_189 = tpu.vector_load %arg14[%parallel_loop3A_187, %parallel_loop3A_188] {strides = array<i32>} : memref<256x128xf32, #tpu.memory_space<vmem>>, vector<1x16xf32>,
      %parallel_loop3A_190 = vector.shape_cast %parallel_loop3A_189 : vector<1x16xf32> to vector<16xf32>
      %parallel_loop3A_191 = arith.mulf %parallel_loop3A_190, %parallel_loop3A_133 : vector<16xf32>
      %parallel_loop3A_192 = arith.addf %parallel_loop3A_186, %parallel_loop3A_191 : vector<16xf32>
      %parallel_loop3A_193 = arith.index_cast %parallel_loop3A_114 : i32 to index
      %parallel_loop3A_194 = arith.constant 48 : index
      %parallel_loop3A_195 = tpu.vector_load %arg15[%parallel_loop3A_193, %parallel_loop3A_194] {strides = array<i32>} : memref<256x128xf32, #tpu.memory_space<vmem>>, vector<1x16xf32>,
      %parallel_loop3A_196 = vector.shape_cast %parallel_loop3A_195 : vector<1x16xf32> to vector<16xf32>
      %parallel_loop3A_197 = vector.shape_cast %parallel_loop3A_192 : vector<16xf32> to vector<1x16xf32>
      tpu.vector_store %arg15[%parallel_loop3A_193, %parallel_loop3A_194], %parallel_loop3A_197 {strides = array<i32>} : memref<256x128xf32, #tpu.memory_space<vmem>>, vector<1x16xf32>,
      %parallel_loop3A_198 = arith.index_cast %parallel_loop3A_114 : i32 to index
      %parallel_loop3A_199 = arith.constant 64 : index
      %parallel_loop3A_200 = tpu.vector_load %arg13[%parallel_loop3A_198, %parallel_loop3A_199] {strides = array<i32>} : memref<256x128xf32, #tpu.memory_space<vmem>>, vector<1x16xf32>,
      %parallel_loop3A_201 = vector.shape_cast %parallel_loop3A_200 : vector<1x16xf32> to vector<16xf32>
      %parallel_loop3A_202 = arith.mulf %parallel_loop3A_201, %parallel_loop3A_128 : vector<16xf32>
      %parallel_loop3A_203 = arith.index_cast %parallel_loop3A_114 : i32 to index
      %parallel_loop3A_204 = arith.constant 64 : index
      %parallel_loop3A_205 = tpu.vector_load %arg14[%parallel_loop3A_203, %parallel_loop3A_204] {strides = array<i32>} : memref<256x128xf32, #tpu.memory_space<vmem>>, vector<1x16xf32>,
      %parallel_loop3A_206 = vector.shape_cast %parallel_loop3A_205 : vector<1x16xf32> to vector<16xf32>
      %parallel_loop3A_207 = arith.mulf %parallel_loop3A_206, %parallel_loop3A_133 : vector<16xf32>
      %parallel_loop3A_208 = arith.addf %parallel_loop3A_202, %parallel_loop3A_207 : vector<16xf32>
      %parallel_loop3A_209 = arith.index_cast %parallel_loop3A_114 : i32 to index
      %parallel_loop3A_210 = arith.constant 64 : index
      %parallel_loop3A_211 = tpu.vector_load %arg15[%parallel_loop3A_209, %parallel_loop3A_210] {strides = array<i32>} : memref<256x128xf32, #tpu.memory_space<vmem>>, vector<1x16xf32>,
      %parallel_loop3A_212 = vector.shape_cast %parallel_loop3A_211 : vector<1x16xf32> to vector<16xf32>
      %parallel_loop3A_213 = vector.shape_cast %parallel_loop3A_208 : vector<16xf32> to vector<1x16xf32>
      tpu.vector_store %arg15[%parallel_loop3A_209, %parallel_loop3A_210], %parallel_loop3A_213 {strides = array<i32>} : memref<256x128xf32, #tpu.memory_space<vmem>>, vector<1x16xf32>,
      %parallel_loop3A_214 = arith.index_cast %parallel_loop3A_114 : i32 to index
      %parallel_loop3A_215 = arith.constant 80 : index
      %parallel_loop3A_216 = tpu.vector_load %arg13[%parallel_loop3A_214, %parallel_loop3A_215] {strides = array<i32>} : memref<256x128xf32, #tpu.memory_space<vmem>>, vector<1x16xf32>,
      %parallel_loop3A_217 = vector.shape_cast %parallel_loop3A_216 : vector<1x16xf32> to vector<16xf32>
      %parallel_loop3A_218 = arith.mulf %parallel_loop3A_217, %parallel_loop3A_128 : vector<16xf32>
      %parallel_loop3A_219 = arith.index_cast %parallel_loop3A_114 : i32 to index
      %parallel_loop3A_220 = arith.constant 80 : index
      %parallel_loop3A_221 = tpu.vector_load %arg14[%parallel_loop3A_219, %parallel_loop3A_220] {strides = array<i32>} : memref<256x128xf32, #tpu.memory_space<vmem>>, vector<1x16xf32>,
      %parallel_loop3A_222 = vector.shape_cast %parallel_loop3A_221 : vector<1x16xf32> to vector<16xf32>
      %parallel_loop3A_223 = arith.mulf %parallel_loop3A_222, %parallel_loop3A_133 : vector<16xf32>
      %parallel_loop3A_224 = arith.addf %parallel_loop3A_218, %parallel_loop3A_223 : vector<16xf32>
      %parallel_loop3A_225 = arith.index_cast %parallel_loop3A_114 : i32 to index
      %parallel_loop3A_226 = arith.constant 80 : index
      %parallel_loop3A_227 = tpu.vector_load %arg15[%parallel_loop3A_225, %parallel_loop3A_226] {strides = array<i32>} : memref<256x128xf32, #tpu.memory_space<vmem>>, vector<1x16xf32>,
      %parallel_loop3A_228 = vector.shape_cast %parallel_loop3A_227 : vector<1x16xf32> to vector<16xf32>
      %parallel_loop3A_229 = vector.shape_cast %parallel_loop3A_224 : vector<16xf32> to vector<1x16xf32>
      tpu.vector_store %arg15[%parallel_loop3A_225, %parallel_loop3A_226], %parallel_loop3A_229 {strides = array<i32>} : memref<256x128xf32, #tpu.memory_space<vmem>>, vector<1x16xf32>,
      %parallel_loop3A_230 = arith.index_cast %parallel_loop3A_114 : i32 to index
      %parallel_loop3A_231 = arith.constant 96 : index
      %parallel_loop3A_232 = tpu.vector_load %arg13[%parallel_loop3A_230, %parallel_loop3A_231] {strides = array<i32>} : memref<256x128xf32, #tpu.memory_space<vmem>>, vector<1x16xf32>,
      %parallel_loop3A_233 = vector.shape_cast %parallel_loop3A_232 : vector<1x16xf32> to vector<16xf32>
      %parallel_loop3A_234 = arith.mulf %parallel_loop3A_233, %parallel_loop3A_128 : vector<16xf32>
      %parallel_loop3A_235 = arith.index_cast %parallel_loop3A_114 : i32 to index
      %parallel_loop3A_236 = arith.constant 96 : index
      %parallel_loop3A_237 = tpu.vector_load %arg14[%parallel_loop3A_235, %parallel_loop3A_236] {strides = array<i32>} : memref<256x128xf32, #tpu.memory_space<vmem>>, vector<1x16xf32>,
      %parallel_loop3A_238 = vector.shape_cast %parallel_loop3A_237 : vector<1x16xf32> to vector<16xf32>
      %parallel_loop3A_239 = arith.mulf %parallel_loop3A_238, %parallel_loop3A_133 : vector<16xf32>
      %parallel_loop3A_240 = arith.addf %parallel_loop3A_234, %parallel_loop3A_239 : vector<16xf32>
      %parallel_loop3A_241 = arith.index_cast %parallel_loop3A_114 : i32 to index
      %parallel_loop3A_242 = arith.constant 96 : index
      %parallel_loop3A_243 = tpu.vector_load %arg15[%parallel_loop3A_241, %parallel_loop3A_242] {strides = array<i32>} : memref<256x128xf32, #tpu.memory_space<vmem>>, vector<1x16xf32>,
      %parallel_loop3A_244 = vector.shape_cast %parallel_loop3A_243 : vector<1x16xf32> to vector<16xf32>
      %parallel_loop3A_245 = vector.shape_cast %parallel_loop3A_240 : vector<16xf32> to vector<1x16xf32>
      tpu.vector_store %arg15[%parallel_loop3A_241, %parallel_loop3A_242], %parallel_loop3A_245 {strides = array<i32>} : memref<256x128xf32, #tpu.memory_space<vmem>>, vector<1x16xf32>,
      %parallel_loop3A_246 = arith.index_cast %parallel_loop3A_114 : i32 to index
      %parallel_loop3A_247 = arith.constant 112 : index
      %parallel_loop3A_248 = tpu.vector_load %arg13[%parallel_loop3A_246, %parallel_loop3A_247] {strides = array<i32>} : memref<256x128xf32, #tpu.memory_space<vmem>>, vector<1x16xf32>,
      %parallel_loop3A_249 = vector.shape_cast %parallel_loop3A_248 : vector<1x16xf32> to vector<16xf32>
      %parallel_loop3A_250 = arith.mulf %parallel_loop3A_249, %parallel_loop3A_128 : vector<16xf32>
      %parallel_loop3A_251 = arith.index_cast %parallel_loop3A_114 : i32 to index
      %parallel_loop3A_252 = arith.constant 112 : index
      %parallel_loop3A_253 = tpu.vector_load %arg14[%parallel_loop3A_251, %parallel_loop3A_252] {strides = array<i32>} : memref<256x128xf32, #tpu.memory_space<vmem>>, vector<1x16xf32>,
      %parallel_loop3A_254 = vector.shape_cast %parallel_loop3A_253 : vector<1x16xf32> to vector<16xf32>
      %parallel_loop3A_255 = arith.mulf %parallel_loop3A_254, %parallel_loop3A_133 : vector<16xf32>
      %parallel_loop3A_256 = arith.addf %parallel_loop3A_250, %parallel_loop3A_255 : vector<16xf32>
      %parallel_loop3A_257 = arith.index_cast %parallel_loop3A_114 : i32 to index
      %parallel_loop3A_258 = arith.constant 112 : index
      %parallel_loop3A_259 = tpu.vector_load %arg15[%parallel_loop3A_257, %parallel_loop3A_258] {strides = array<i32>} : memref<256x128xf32, #tpu.memory_space<vmem>>, vector<1x16xf32>,
      %parallel_loop3A_260 = vector.shape_cast %parallel_loop3A_259 : vector<1x16xf32> to vector<16xf32>
      %parallel_loop3A_261 = vector.shape_cast %parallel_loop3A_256 : vector<16xf32> to vector<1x16xf32>
      tpu.vector_store %arg15[%parallel_loop3A_257, %parallel_loop3A_258], %parallel_loop3A_261 {strides = array<i32>} : memref<256x128xf32, #tpu.memory_space<vmem>>, vector<1x16xf32>,
    } {sc.loop_unroll_factor = 4 : i64, sc.parallel_access}
    %add3A_51 = arith.constant 0 : i32
    %add3A_52 = arith.addi %mul3A_2, %add3A_51 : i32
    %dma_start3A_53 = arith.constant 0 : i32
    %dma_start3A_54 = arith.constant 0 : i32
    %dma_start3A_55 = tpu.memref_slice %arg15[%dma_start3A_53, %dma_start3A_54] : memref<256x128xf32, #tpu.memory_space<vmem>> -> memref<128x128xf32, #tpu.memory_space<vmem>>
    %dma_start3A_56 = arith.constant 0 : i32
    %dma_start3A_57 = tpu.memref_slice %arg8[%add3A_52, %dma_start3A_56] : memref<8192x128xf32, #tpu.memory_space<hbm>> -> memref<128x128xf32, #tpu.memory_space<hbm>>
    %dma_start3A_58 = arith.constant 0 : i32
    %dma_start3A_59 = tpu.memref_slice %arg8[%add3A_52, %dma_start3A_58] : memref<8192x128xf32, #tpu.memory_space<hbm>> -> memref<128x128xf32, #tpu.memory_space<hbm>>
    %dma_start3A_60 = arith.constant 0 : i32
    %dma_start3A_61 = arith.constant 0 : i32
    %dma_start3A_62 = tpu.memref_slice %arg15[%dma_start3A_60, %dma_start3A_61] : memref<256x128xf32, #tpu.memory_space<vmem>> -> memref<128x128xf32, #tpu.memory_space<vmem>>
    tpu.enqueue_dma source(%dma_start3A_62 : memref<128x128xf32, #tpu.memory_space<vmem>>) target(%dma_start3A_59 : memref<128x128xf32, #tpu.memory_space<hbm>>) target_semaphore(%arg20 : memref<!tpu.dma_semaphore, #tpu.memory_space<semaphore_mem>>)
    %dma_wait3A_63 = arith.constant 128 : i32
    %dma_wait3A_64 = arith.constant 0 : i32
    %dma_wait3A_65 = tpu.memref_slice %arg13[%dma_wait3A_63, %dma_wait3A_64] : memref<256x128xf32, #tpu.memory_space<vmem>> -> memref<128x128xf32, #tpu.memory_space<vmem>>
    %dma_wait3A_66 = arith.constant 128 : i32
    %dma_wait3A_67 = tpu.memref_slice %arg9[%dma_wait3A_66] : memref<256xi32, #tpu.memory_space<vmem>> -> memref<128xi32, #tpu.memory_space<vmem>>
    %dma_wait3A_68 = arith.constant 0 : i32
    %dma_wait3A_69 = arith.constant 0 : i32
    %dma_wait3A_70 = tpu.memref_slice %arg2[%dma_wait3A_68, %dma_wait3A_69] : memref<262144x128xf32, #tpu.memory_space<hbm>> -> memref<262144x128xf32, #tpu.memory_space<hbm>>
    tpu.wait_indirect_dma semaphore(%arg18 : memref<!tpu.dma_semaphore, #tpu.memory_space<semaphore_mem>>) src(%dma_wait3A_70 : memref<262144x128xf32, #tpu.memory_space<hbm>>) dst(%dma_wait3A_65 : memref<128x128xf32, #tpu.memory_space<vmem>>)
    %dma_wait3A_71 = arith.constant 128 : i32
    %dma_wait3A_72 = arith.constant 0 : i32
    %dma_wait3A_73 = tpu.memref_slice %arg14[%dma_wait3A_71, %dma_wait3A_72] : memref<256x128xf32, #tpu.memory_space<vmem>> -> memref<128x128xf32, #tpu.memory_space<vmem>>
    %dma_wait3A_74 = arith.constant 128 : i32
    %dma_wait3A_75 = tpu.memref_slice %arg10[%dma_wait3A_74] : memref<256xi32, #tpu.memory_space<vmem>> -> memref<128xi32, #tpu.memory_space<vmem>>
    %dma_wait3A_76 = arith.constant 0 : i32
    %dma_wait3A_77 = arith.constant 0 : i32
    %dma_wait3A_78 = tpu.memref_slice %arg3[%dma_wait3A_76, %dma_wait3A_77] : memref<262144x128xf32, #tpu.memory_space<hbm>> -> memref<262144x128xf32, #tpu.memory_space<hbm>>
    tpu.wait_indirect_dma semaphore(%arg19 : memref<!tpu.dma_semaphore, #tpu.memory_space<semaphore_mem>>) src(%dma_wait3A_78 : memref<262144x128xf32, #tpu.memory_space<hbm>>) dst(%dma_wait3A_73 : memref<128x128xf32, #tpu.memory_space<vmem>>)
    %parallel_loop3A_79 = arith.constant 128 : i32
    %parallel_loop3A_80 = arith.constant 256 : i32
    %parallel_loop3A_81 = arith.constant 1 : i32
    scf.for %parallel_loop3A_114 = %parallel_loop3A_79 to %parallel_loop3A_80 step %parallel_loop3A_81  : i32 {
      %parallel_loop3A_115 = arith.constant 15 : i32
      %parallel_loop3A_116 = arith.constant -1 : i32
      %parallel_loop3A_117 = arith.xori %parallel_loop3A_115, %parallel_loop3A_116 : i32
      %parallel_loop3A_118 = arith.andi %parallel_loop3A_114, %parallel_loop3A_117 : i32
      %parallel_loop3A_119 = arith.constant 15 : i32
      %parallel_loop3A_120 = arith.andi %parallel_loop3A_114, %parallel_loop3A_119 : i32
      %parallel_loop3A_121 = tpu.assume_multiple %parallel_loop3A_118, 16 : i32
      %parallel_loop3A_122 = vector.broadcast %parallel_loop3A_120 : i32 to vector<16xi32>
      %parallel_loop3A_123 = vector.shape_cast %parallel_loop3A_122 : vector<16xi32> to vector<16x1xi32>
      %parallel_loop3A_124 = arith.index_cast %parallel_loop3A_121 : i32 to index
      %parallel_loop3A_125 = tpu.vector_load %arg11[%parallel_loop3A_124] {strides = array<i32>} : memref<256xf32, #tpu.memory_space<vmem>>, vector<16xf32>,
      %parallel_loop3A_126 = vector.shape_cast %parallel_loop3A_125 : vector<16xf32> to vector<16xf32>
      %parallel_loop3A_127 = vector.shape_cast %parallel_loop3A_123 : vector<16x1xi32> to vector<16xi32>
      %parallel_loop3A_128 = tpu.dynamic_gather %parallel_loop3A_126[%parallel_loop3A_127] in [0] : vector<16xf32>, vector<16xi32> -> vector<16xf32>
      %parallel_loop3A_129 = arith.index_cast %parallel_loop3A_121 : i32 to index
      %parallel_loop3A_130 = tpu.vector_load %arg12[%parallel_loop3A_129] {strides = array<i32>} : memref<256xf32, #tpu.memory_space<vmem>>, vector<16xf32>,
      %parallel_loop3A_131 = vector.shape_cast %parallel_loop3A_130 : vector<16xf32> to vector<16xf32>
      %parallel_loop3A_132 = vector.shape_cast %parallel_loop3A_123 : vector<16x1xi32> to vector<16xi32>
      %parallel_loop3A_133 = tpu.dynamic_gather %parallel_loop3A_131[%parallel_loop3A_132] in [0] : vector<16xf32>, vector<16xi32> -> vector<16xf32>
      %parallel_loop3A_134 = arith.index_cast %parallel_loop3A_114 : i32 to index
      %parallel_loop3A_135 = arith.constant 0 : index
      %parallel_loop3A_136 = tpu.vector_load %arg13[%parallel_loop3A_134, %parallel_loop3A_135] {strides = array<i32>} : memref<256x128xf32, #tpu.memory_space<vmem>>, vector<1x16xf32>,
      %parallel_loop3A_137 = vector.shape_cast %parallel_loop3A_136 : vector<1x16xf32> to vector<16xf32>
      %parallel_loop3A_138 = arith.mulf %parallel_loop3A_137, %parallel_loop3A_128 : vector<16xf32>
      %parallel_loop3A_139 = arith.index_cast %parallel_loop3A_114 : i32 to index
      %parallel_loop3A_140 = arith.constant 0 : index
      %parallel_loop3A_141 = tpu.vector_load %arg14[%parallel_loop3A_139, %parallel_loop3A_140] {strides = array<i32>} : memref<256x128xf32, #tpu.memory_space<vmem>>, vector<1x16xf32>,
      %parallel_loop3A_142 = vector.shape_cast %parallel_loop3A_141 : vector<1x16xf32> to vector<16xf32>
      %parallel_loop3A_143 = arith.mulf %parallel_loop3A_142, %parallel_loop3A_133 : vector<16xf32>
      %parallel_loop3A_144 = arith.addf %parallel_loop3A_138, %parallel_loop3A_143 : vector<16xf32>
      %parallel_loop3A_145 = arith.index_cast %parallel_loop3A_114 : i32 to index
      %parallel_loop3A_146 = arith.constant 0 : index
      %parallel_loop3A_147 = tpu.vector_load %arg15[%parallel_loop3A_145, %parallel_loop3A_146] {strides = array<i32>} : memref<256x128xf32, #tpu.memory_space<vmem>>, vector<1x16xf32>,
      %parallel_loop3A_148 = vector.shape_cast %parallel_loop3A_147 : vector<1x16xf32> to vector<16xf32>
      %parallel_loop3A_149 = vector.shape_cast %parallel_loop3A_144 : vector<16xf32> to vector<1x16xf32>
      tpu.vector_store %arg15[%parallel_loop3A_145, %parallel_loop3A_146], %parallel_loop3A_149 {strides = array<i32>} : memref<256x128xf32, #tpu.memory_space<vmem>>, vector<1x16xf32>,
      %parallel_loop3A_150 = arith.index_cast %parallel_loop3A_114 : i32 to index
      %parallel_loop3A_151 = arith.constant 16 : index
      %parallel_loop3A_152 = tpu.vector_load %arg13[%parallel_loop3A_150, %parallel_loop3A_151] {strides = array<i32>} : memref<256x128xf32, #tpu.memory_space<vmem>>, vector<1x16xf32>,
      %parallel_loop3A_153 = vector.shape_cast %parallel_loop3A_152 : vector<1x16xf32> to vector<16xf32>
      %parallel_loop3A_154 = arith.mulf %parallel_loop3A_153, %parallel_loop3A_128 : vector<16xf32>
      %parallel_loop3A_155 = arith.index_cast %parallel_loop3A_114 : i32 to index
      %parallel_loop3A_156 = arith.constant 16 : index
      %parallel_loop3A_157 = tpu.vector_load %arg14[%parallel_loop3A_155, %parallel_loop3A_156] {strides = array<i32>} : memref<256x128xf32, #tpu.memory_space<vmem>>, vector<1x16xf32>,
      %parallel_loop3A_158 = vector.shape_cast %parallel_loop3A_157 : vector<1x16xf32> to vector<16xf32>
      %parallel_loop3A_159 = arith.mulf %parallel_loop3A_158, %parallel_loop3A_133 : vector<16xf32>
      %parallel_loop3A_160 = arith.addf %parallel_loop3A_154, %parallel_loop3A_159 : vector<16xf32>
      %parallel_loop3A_161 = arith.index_cast %parallel_loop3A_114 : i32 to index
      %parallel_loop3A_162 = arith.constant 16 : index
      %parallel_loop3A_163 = tpu.vector_load %arg15[%parallel_loop3A_161, %parallel_loop3A_162] {strides = array<i32>} : memref<256x128xf32, #tpu.memory_space<vmem>>, vector<1x16xf32>,
      %parallel_loop3A_164 = vector.shape_cast %parallel_loop3A_163 : vector<1x16xf32> to vector<16xf32>
      %parallel_loop3A_165 = vector.shape_cast %parallel_loop3A_160 : vector<16xf32> to vector<1x16xf32>
      tpu.vector_store %arg15[%parallel_loop3A_161, %parallel_loop3A_162], %parallel_loop3A_165 {strides = array<i32>} : memref<256x128xf32, #tpu.memory_space<vmem>>, vector<1x16xf32>,
      %parallel_loop3A_166 = arith.index_cast %parallel_loop3A_114 : i32 to index
      %parallel_loop3A_167 = arith.constant 32 : index
      %parallel_loop3A_168 = tpu.vector_load %arg13[%parallel_loop3A_166, %parallel_loop3A_167] {strides = array<i32>} : memref<256x128xf32, #tpu.memory_space<vmem>>, vector<1x16xf32>,
      %parallel_loop3A_169 = vector.shape_cast %parallel_loop3A_168 : vector<1x16xf32> to vector<16xf32>
      %parallel_loop3A_170 = arith.mulf %parallel_loop3A_169, %parallel_loop3A_128 : vector<16xf32>
      %parallel_loop3A_171 = arith.index_cast %parallel_loop3A_114 : i32 to index
      %parallel_loop3A_172 = arith.constant 32 : index
      %parallel_loop3A_173 = tpu.vector_load %arg14[%parallel_loop3A_171, %parallel_loop3A_172] {strides = array<i32>} : memref<256x128xf32, #tpu.memory_space<vmem>>, vector<1x16xf32>,
      %parallel_loop3A_174 = vector.shape_cast %parallel_loop3A_173 : vector<1x16xf32> to vector<16xf32>
      %parallel_loop3A_175 = arith.mulf %parallel_loop3A_174, %parallel_loop3A_133 : vector<16xf32>
      %parallel_loop3A_176 = arith.addf %parallel_loop3A_170, %parallel_loop3A_175 : vector<16xf32>
      %parallel_loop3A_177 = arith.index_cast %parallel_loop3A_114 : i32 to index
      %parallel_loop3A_178 = arith.constant 32 : index
      %parallel_loop3A_179 = tpu.vector_load %arg15[%parallel_loop3A_177, %parallel_loop3A_178] {strides = array<i32>} : memref<256x128xf32, #tpu.memory_space<vmem>>, vector<1x16xf32>,
      %parallel_loop3A_180 = vector.shape_cast %parallel_loop3A_179 : vector<1x16xf32> to vector<16xf32>
      %parallel_loop3A_181 = vector.shape_cast %parallel_loop3A_176 : vector<16xf32> to vector<1x16xf32>
      tpu.vector_store %arg15[%parallel_loop3A_177, %parallel_loop3A_178], %parallel_loop3A_181 {strides = array<i32>} : memref<256x128xf32, #tpu.memory_space<vmem>>, vector<1x16xf32>,
      %parallel_loop3A_182 = arith.index_cast %parallel_loop3A_114 : i32 to index
      %parallel_loop3A_183 = arith.constant 48 : index
      %parallel_loop3A_184 = tpu.vector_load %arg13[%parallel_loop3A_182, %parallel_loop3A_183] {strides = array<i32>} : memref<256x128xf32, #tpu.memory_space<vmem>>, vector<1x16xf32>,
      %parallel_loop3A_185 = vector.shape_cast %parallel_loop3A_184 : vector<1x16xf32> to vector<16xf32>
      %parallel_loop3A_186 = arith.mulf %parallel_loop3A_185, %parallel_loop3A_128 : vector<16xf32>
      %parallel_loop3A_187 = arith.index_cast %parallel_loop3A_114 : i32 to index
      %parallel_loop3A_188 = arith.constant 48 : index
      %parallel_loop3A_189 = tpu.vector_load %arg14[%parallel_loop3A_187, %parallel_loop3A_188] {strides = array<i32>} : memref<256x128xf32, #tpu.memory_space<vmem>>, vector<1x16xf32>,
      %parallel_loop3A_190 = vector.shape_cast %parallel_loop3A_189 : vector<1x16xf32> to vector<16xf32>
      %parallel_loop3A_191 = arith.mulf %parallel_loop3A_190, %parallel_loop3A_133 : vector<16xf32>
      %parallel_loop3A_192 = arith.addf %parallel_loop3A_186, %parallel_loop3A_191 : vector<16xf32>
      %parallel_loop3A_193 = arith.index_cast %parallel_loop3A_114 : i32 to index
      %parallel_loop3A_194 = arith.constant 48 : index
      %parallel_loop3A_195 = tpu.vector_load %arg15[%parallel_loop3A_193, %parallel_loop3A_194] {strides = array<i32>} : memref<256x128xf32, #tpu.memory_space<vmem>>, vector<1x16xf32>,
      %parallel_loop3A_196 = vector.shape_cast %parallel_loop3A_195 : vector<1x16xf32> to vector<16xf32>
      %parallel_loop3A_197 = vector.shape_cast %parallel_loop3A_192 : vector<16xf32> to vector<1x16xf32>
      tpu.vector_store %arg15[%parallel_loop3A_193, %parallel_loop3A_194], %parallel_loop3A_197 {strides = array<i32>} : memref<256x128xf32, #tpu.memory_space<vmem>>, vector<1x16xf32>,
      %parallel_loop3A_198 = arith.index_cast %parallel_loop3A_114 : i32 to index
      %parallel_loop3A_199 = arith.constant 64 : index
      %parallel_loop3A_200 = tpu.vector_load %arg13[%parallel_loop3A_198, %parallel_loop3A_199] {strides = array<i32>} : memref<256x128xf32, #tpu.memory_space<vmem>>, vector<1x16xf32>,
      %parallel_loop3A_201 = vector.shape_cast %parallel_loop3A_200 : vector<1x16xf32> to vector<16xf32>
      %parallel_loop3A_202 = arith.mulf %parallel_loop3A_201, %parallel_loop3A_128 : vector<16xf32>
      %parallel_loop3A_203 = arith.index_cast %parallel_loop3A_114 : i32 to index
      %parallel_loop3A_204 = arith.constant 64 : index
      %parallel_loop3A_205 = tpu.vector_load %arg14[%parallel_loop3A_203, %parallel_loop3A_204] {strides = array<i32>} : memref<256x128xf32, #tpu.memory_space<vmem>>, vector<1x16xf32>,
      %parallel_loop3A_206 = vector.shape_cast %parallel_loop3A_205 : vector<1x16xf32> to vector<16xf32>
      %parallel_loop3A_207 = arith.mulf %parallel_loop3A_206, %parallel_loop3A_133 : vector<16xf32>
      %parallel_loop3A_208 = arith.addf %parallel_loop3A_202, %parallel_loop3A_207 : vector<16xf32>
      %parallel_loop3A_209 = arith.index_cast %parallel_loop3A_114 : i32 to index
      %parallel_loop3A_210 = arith.constant 64 : index
      %parallel_loop3A_211 = tpu.vector_load %arg15[%parallel_loop3A_209, %parallel_loop3A_210] {strides = array<i32>} : memref<256x128xf32, #tpu.memory_space<vmem>>, vector<1x16xf32>,
      %parallel_loop3A_212 = vector.shape_cast %parallel_loop3A_211 : vector<1x16xf32> to vector<16xf32>
      %parallel_loop3A_213 = vector.shape_cast %parallel_loop3A_208 : vector<16xf32> to vector<1x16xf32>
      tpu.vector_store %arg15[%parallel_loop3A_209, %parallel_loop3A_210], %parallel_loop3A_213 {strides = array<i32>} : memref<256x128xf32, #tpu.memory_space<vmem>>, vector<1x16xf32>,
      %parallel_loop3A_214 = arith.index_cast %parallel_loop3A_114 : i32 to index
      %parallel_loop3A_215 = arith.constant 80 : index
      %parallel_loop3A_216 = tpu.vector_load %arg13[%parallel_loop3A_214, %parallel_loop3A_215] {strides = array<i32>} : memref<256x128xf32, #tpu.memory_space<vmem>>, vector<1x16xf32>,
      %parallel_loop3A_217 = vector.shape_cast %parallel_loop3A_216 : vector<1x16xf32> to vector<16xf32>
      %parallel_loop3A_218 = arith.mulf %parallel_loop3A_217, %parallel_loop3A_128 : vector<16xf32>
      %parallel_loop3A_219 = arith.index_cast %parallel_loop3A_114 : i32 to index
      %parallel_loop3A_220 = arith.constant 80 : index
      %parallel_loop3A_221 = tpu.vector_load %arg14[%parallel_loop3A_219, %parallel_loop3A_220] {strides = array<i32>} : memref<256x128xf32, #tpu.memory_space<vmem>>, vector<1x16xf32>,
      %parallel_loop3A_222 = vector.shape_cast %parallel_loop3A_221 : vector<1x16xf32> to vector<16xf32>
      %parallel_loop3A_223 = arith.mulf %parallel_loop3A_222, %parallel_loop3A_133 : vector<16xf32>
      %parallel_loop3A_224 = arith.addf %parallel_loop3A_218, %parallel_loop3A_223 : vector<16xf32>
      %parallel_loop3A_225 = arith.index_cast %parallel_loop3A_114 : i32 to index
      %parallel_loop3A_226 = arith.constant 80 : index
      %parallel_loop3A_227 = tpu.vector_load %arg15[%parallel_loop3A_225, %parallel_loop3A_226] {strides = array<i32>} : memref<256x128xf32, #tpu.memory_space<vmem>>, vector<1x16xf32>,
      %parallel_loop3A_228 = vector.shape_cast %parallel_loop3A_227 : vector<1x16xf32> to vector<16xf32>
      %parallel_loop3A_229 = vector.shape_cast %parallel_loop3A_224 : vector<16xf32> to vector<1x16xf32>
      tpu.vector_store %arg15[%parallel_loop3A_225, %parallel_loop3A_226], %parallel_loop3A_229 {strides = array<i32>} : memref<256x128xf32, #tpu.memory_space<vmem>>, vector<1x16xf32>,
      %parallel_loop3A_230 = arith.index_cast %parallel_loop3A_114 : i32 to index
      %parallel_loop3A_231 = arith.constant 96 : index
      %parallel_loop3A_232 = tpu.vector_load %arg13[%parallel_loop3A_230, %parallel_loop3A_231] {strides = array<i32>} : memref<256x128xf32, #tpu.memory_space<vmem>>, vector<1x16xf32>,
      %parallel_loop3A_233 = vector.shape_cast %parallel_loop3A_232 : vector<1x16xf32> to vector<16xf32>
      %parallel_loop3A_234 = arith.mulf %parallel_loop3A_233, %parallel_loop3A_128 : vector<16xf32>
      %parallel_loop3A_235 = arith.index_cast %parallel_loop3A_114 : i32 to index
      %parallel_loop3A_236 = arith.constant 96 : index
      %parallel_loop3A_237 = tpu.vector_load %arg14[%parallel_loop3A_235, %parallel_loop3A_236] {strides = array<i32>} : memref<256x128xf32, #tpu.memory_space<vmem>>, vector<1x16xf32>,
      %parallel_loop3A_238 = vector.shape_cast %parallel_loop3A_237 : vector<1x16xf32> to vector<16xf32>
      %parallel_loop3A_239 = arith.mulf %parallel_loop3A_238, %parallel_loop3A_133 : vector<16xf32>
      %parallel_loop3A_240 = arith.addf %parallel_loop3A_234, %parallel_loop3A_239 : vector<16xf32>
      %parallel_loop3A_241 = arith.index_cast %parallel_loop3A_114 : i32 to index
      %parallel_loop3A_242 = arith.constant 96 : index
      %parallel_loop3A_243 = tpu.vector_load %arg15[%parallel_loop3A_241, %parallel_loop3A_242] {strides = array<i32>} : memref<256x128xf32, #tpu.memory_space<vmem>>, vector<1x16xf32>,
      %parallel_loop3A_244 = vector.shape_cast %parallel_loop3A_243 : vector<1x16xf32> to vector<16xf32>
      %parallel_loop3A_245 = vector.shape_cast %parallel_loop3A_240 : vector<16xf32> to vector<1x16xf32>
      tpu.vector_store %arg15[%parallel_loop3A_241, %parallel_loop3A_242], %parallel_loop3A_245 {strides = array<i32>} : memref<256x128xf32, #tpu.memory_space<vmem>>, vector<1x16xf32>,
      %parallel_loop3A_246 = arith.index_cast %parallel_loop3A_114 : i32 to index
      %parallel_loop3A_247 = arith.constant 112 : index
      %parallel_loop3A_248 = tpu.vector_load %arg13[%parallel_loop3A_246, %parallel_loop3A_247] {strides = array<i32>} : memref<256x128xf32, #tpu.memory_space<vmem>>, vector<1x16xf32>,
      %parallel_loop3A_249 = vector.shape_cast %parallel_loop3A_248 : vector<1x16xf32> to vector<16xf32>
      %parallel_loop3A_250 = arith.mulf %parallel_loop3A_249, %parallel_loop3A_128 : vector<16xf32>
      %parallel_loop3A_251 = arith.index_cast %parallel_loop3A_114 : i32 to index
      %parallel_loop3A_252 = arith.constant 112 : index
      %parallel_loop3A_253 = tpu.vector_load %arg14[%parallel_loop3A_251, %parallel_loop3A_252] {strides = array<i32>} : memref<256x128xf32, #tpu.memory_space<vmem>>, vector<1x16xf32>,
      %parallel_loop3A_254 = vector.shape_cast %parallel_loop3A_253 : vector<1x16xf32> to vector<16xf32>
      %parallel_loop3A_255 = arith.mulf %parallel_loop3A_254, %parallel_loop3A_133 : vector<16xf32>
      %parallel_loop3A_256 = arith.addf %parallel_loop3A_250, %parallel_loop3A_255 : vector<16xf32>
      %parallel_loop3A_257 = arith.index_cast %parallel_loop3A_114 : i32 to index
      %parallel_loop3A_258 = arith.constant 112 : index
      %parallel_loop3A_259 = tpu.vector_load %arg15[%parallel_loop3A_257, %parallel_loop3A_258] {strides = array<i32>} : memref<256x128xf32, #tpu.memory_space<vmem>>, vector<1x16xf32>,
      %parallel_loop3A_260 = vector.shape_cast %parallel_loop3A_259 : vector<1x16xf32> to vector<16xf32>
      %parallel_loop3A_261 = vector.shape_cast %parallel_loop3A_256 : vector<16xf32> to vector<1x16xf32>
      tpu.vector_store %arg15[%parallel_loop3A_257, %parallel_loop3A_258], %parallel_loop3A_261 {strides = array<i32>} : memref<256x128xf32, #tpu.memory_space<vmem>>, vector<1x16xf32>,
    } {sc.loop_unroll_factor = 4 : i64, sc.parallel_access}
    %add3A_82 = arith.constant 128 : i32
    %add3A_83 = arith.addi %mul3A_2, %add3A_82 : i32
    %dma_start3A_84 = arith.constant 128 : i32
    %dma_start3A_85 = arith.constant 0 : i32
    %dma_start3A_86 = tpu.memref_slice %arg15[%dma_start3A_84, %dma_start3A_85] : memref<256x128xf32, #tpu.memory_space<vmem>> -> memref<128x128xf32, #tpu.memory_space<vmem>>
    %dma_start3A_87 = arith.constant 0 : i32
    %dma_start3A_88 = tpu.memref_slice %arg8[%add3A_83, %dma_start3A_87] : memref<8192x128xf32, #tpu.memory_space<hbm>> -> memref<128x128xf32, #tpu.memory_space<hbm>>
    %dma_start3A_89 = arith.constant 0 : i32
    %dma_start3A_90 = tpu.memref_slice %arg8[%add3A_83, %dma_start3A_89] : memref<8192x128xf32, #tpu.memory_space<hbm>> -> memref<128x128xf32, #tpu.memory_space<hbm>>
    %dma_start3A_91 = arith.constant 128 : i32
    %dma_start3A_92 = arith.constant 0 : i32
    %dma_start3A_93 = tpu.memref_slice %arg15[%dma_start3A_91, %dma_start3A_92] : memref<256x128xf32, #tpu.memory_space<vmem>> -> memref<128x128xf32, #tpu.memory_space<vmem>>
    tpu.enqueue_dma source(%dma_start3A_93 : memref<128x128xf32, #tpu.memory_space<vmem>>) target(%dma_start3A_90 : memref<128x128xf32, #tpu.memory_space<hbm>>) target_semaphore(%arg20 : memref<!tpu.dma_semaphore, #tpu.memory_space<semaphore_mem>>)
    %dma_wait3A_94 = arith.constant 0 : i32
    %dma_wait3A_95 = arith.constant 0 : i32
    %dma_wait3A_96 = tpu.memref_slice %arg15[%dma_wait3A_94, %dma_wait3A_95] : memref<256x128xf32, #tpu.memory_space<vmem>> -> memref<128x128xf32, #tpu.memory_space<vmem>>
    %dma_wait3A_97 = arith.constant 0 : i32
    %dma_wait3A_98 = tpu.memref_slice %arg8[%add3A_52, %dma_wait3A_97] : memref<8192x128xf32, #tpu.memory_space<hbm>> -> memref<128x128xf32, #tpu.memory_space<hbm>>
    %dma_wait3A_99 = arith.constant 0 : i32
    %dma_wait3A_100 = tpu.memref_slice %arg8[%add3A_52, %dma_wait3A_99] : memref<8192x128xf32, #tpu.memory_space<hbm>> -> memref<128x128xf32, #tpu.memory_space<hbm>>
    %dma_wait3A_101 = arith.constant 0 : i32
    %dma_wait3A_102 = arith.constant 0 : i32
    %dma_wait3A_103 = tpu.memref_slice %arg15[%dma_wait3A_101, %dma_wait3A_102] : memref<256x128xf32, #tpu.memory_space<vmem>> -> memref<128x128xf32, #tpu.memory_space<vmem>>
    tpu.wait_dma2 semaphore(%arg20 : memref<!tpu.dma_semaphore, #tpu.memory_space<semaphore_mem>>) src(%dma_wait3A_103 : memref<128x128xf32, #tpu.memory_space<vmem>>) dst(%dma_wait3A_100 : memref<128x128xf32, #tpu.memory_space<hbm>>)
    %dma_wait3A_104 = arith.constant 128 : i32
    %dma_wait3A_105 = arith.constant 0 : i32
    %dma_wait3A_106 = tpu.memref_slice %arg15[%dma_wait3A_104, %dma_wait3A_105] : memref<256x128xf32, #tpu.memory_space<vmem>> -> memref<128x128xf32, #tpu.memory_space<vmem>>
    %dma_wait3A_107 = arith.constant 0 : i32
    %dma_wait3A_108 = tpu.memref_slice %arg8[%add3A_83, %dma_wait3A_107] : memref<8192x128xf32, #tpu.memory_space<hbm>> -> memref<128x128xf32, #tpu.memory_space<hbm>>
    %dma_wait3A_109 = arith.constant 0 : i32
    %dma_wait3A_110 = tpu.memref_slice %arg8[%add3A_83, %dma_wait3A_109] : memref<8192x128xf32, #tpu.memory_space<hbm>> -> memref<128x128xf32, #tpu.memory_space<hbm>>
    %dma_wait3A_111 = arith.constant 128 : i32
    %dma_wait3A_112 = arith.constant 0 : i32
    %dma_wait3A_113 = tpu.memref_slice %arg15[%dma_wait3A_111, %dma_wait3A_112] : memref<256x128xf32, #tpu.memory_space<vmem>> -> memref<128x128xf32, #tpu.memory_space<vmem>>
    tpu.wait_dma2 semaphore(%arg20 : memref<!tpu.dma_semaphore, #tpu.memory_space<semaphore_mem>>) src(%dma_wait3A_113 : memref<128x128xf32, #tpu.memory_space<vmem>>) dst(%dma_wait3A_110 : memref<128x128xf32, #tpu.memory_space<hbm>>)
    return
  }
}

module attributes {stable_mosaic.version = 14 : i64} {
  func.func @tc_body(%arg0: i32, %arg1: memref<2x512x128xf32, #tpu.memory_space<vmem>>, %arg2: memref<128x256xf32, #tpu.memory_space<vmem>>, %arg3: memref<512x128xf32, #tpu.memory_space<vmem>>) attributes {dimension_semantics = [#tpu.dimension_semantics<arbitrary>], iteration_bounds = array<i64: 8>, scalar_prefetch = 0 : i64, scratch_operands = 0 : i64, tpu.core_type = #tpu.core_type<tc>, window_params = [{transform_indices = @transform_0, window_bounds = array<i64: 2, 512, 128>}, {pipeline_mode = #tpu.pipeline_mode<synchronous>, transform_indices = @transform_1, window_bounds = array<i64: 128, 256>}, {transform_indices = @transform_2, window_bounds = array<i64: 512, 128>}]} {
    %get3A = arith.constant 0 : index
    %get3A_0 = arith.constant 0 : index
    %get3A_1 = vector.load %arg2[%get3A, %get3A_0] : memref<128x256xf32, #tpu.memory_space<vmem>>, vector<128x256xf32>
    %get3A_2 = arith.constant 0 : index
    %get3A_3 = arith.constant 0 : index
    %get3A_4 = arith.constant 0 : index
    %get3A_5 = vector.load %arg1[%get3A_2, %get3A_3, %get3A_4] : memref<2x512x128xf32, #tpu.memory_space<vmem>>, vector<1x512x128xf32>
    %get3A_6 = vector.shape_cast %get3A_5 : vector<1x512x128xf32> to vector<512x128xf32>
    %slice3A = vector.extract_strided_slice %get3A_1 {offsets = [0, 0], sizes = [128, 128], strides = [1, 1]} : vector<128x256xf32> to vector<128x128xf32>
    %dot_general3A = arith.constant dense<0.000000e+00> : vector<512x128xf32>
    %dot_general3A_7 = tpu.matmul %get3A_6, %slice3A, %dot_general3A {dimension_numbers = #tpu.dot_dimension_numbers<[1], [1], [0], [0], [0, 0, 1, 0], [], []>, transpose_lhs_hint = false} : vector<512x128xf32>, vector<128x128xf32>, vector<512x128xf32> -> vector<512x128xf32>
    %get3A_8 = arith.constant 1 : index
    %get3A_9 = arith.constant 0 : index
    %get3A_10 = arith.constant 0 : index
    %get3A_11 = vector.load %arg1[%get3A_8, %get3A_9, %get3A_10] : memref<2x512x128xf32, #tpu.memory_space<vmem>>, vector<1x512x128xf32>
    %get3A_12 = vector.shape_cast %get3A_11 : vector<1x512x128xf32> to vector<512x128xf32>
    %slice3A_13 = vector.extract_strided_slice %get3A_1 {offsets = [0, 128], sizes = [128, 128], strides = [1, 1]} : vector<128x256xf32> to vector<128x128xf32>
    %dot_general3A_14 = arith.constant dense<0.000000e+00> : vector<512x128xf32>
    %dot_general3A_15 = tpu.matmul %get3A_12, %slice3A_13, %dot_general3A_14 {dimension_numbers = #tpu.dot_dimension_numbers<[1], [1], [0], [0], [0, 0, 1, 0], [], []>, transpose_lhs_hint = false} : vector<512x128xf32>, vector<128x128xf32>, vector<512x128xf32> -> vector<512x128xf32>
    %add3A = arith.addf %dot_general3A_7, %dot_general3A_15 : vector<512x128xf32>
    %swap3A = arith.constant 0 : index
    %swap3A_16 = arith.constant 0 : index
    %swap3A_17 = vector.load %arg3[%swap3A, %swap3A_16] : memref<512x128xf32, #tpu.memory_space<vmem>>, vector<512x128xf32>
    tpu.vector_store %arg3[%swap3A, %swap3A_16], %add3A {strides = array<i32>} : memref<512x128xf32, #tpu.memory_space<vmem>>, vector<512x128xf32>,
    return
  }
  func.func @transform_0(%arg0: i32) -> (i32, i32, i32) {
    %c0_i32 = arith.constant 0 : i32
    %c0_i32_0 = arith.constant 0 : i32
    %c0_i32_1 = arith.constant 0 : i32
    return %c0_i32, %arg0, %c0_i32_0 : i32, i32, i32
  }
  func.func @transform_1(%arg0: i32) -> (i32, i32) {
    %c0_i32 = arith.constant 0 : i32
    %c0_i32_0 = arith.constant 0 : i32
    %c0_i32_1 = arith.constant 0 : i32
    return %c0_i32, %c0_i32_0 : i32, i32
  }
  func.func @transform_2(%arg0: i32) -> (i32, i32) {
    %c0_i32 = arith.constant 0 : i32
    %c0_i32_0 = arith.constant 0 : i32
    return %arg0, %c0_i32 : i32, i32
  }
}

</mosaic_0001>

<sc_bundles>
// kernel: _run.4.cloned.1.call-start
scs
__scs_entry_jumppad:
0x0: {  	(pc) =	sbr.rel $0x88, $3  }
0x1: {  	(tag) =	ssettag $0x0;
	lr =	simm.s32 $0x1  }
0x2: {  	[smem:$0x3F99] =	sst lr;
	_ =	strace $0xD0000000  }
0x3: {  	_ = 	snop  }
0x4: {  	_ = 	snop  }
0x5: {  	_ = 	snop  }
0x6: {  	_ = 	snop  }
0x7: {  	_ = 	snop  }
__scs_overlays_trampoline_lowered:
0x8: {  	[smem:$0x3FA8] =	sst s0  }
0x9: {  	[smem:$0x3FA9] =	sst s1  }
0xa: {  	[smem:$0x3FAA] =	sst s2  }
0xb: {  	[smem:$0x3FAB] =	sst s3  }
0xc: {  	[smem:$0x3FAC] =	sst s4  }
0xd: {  	[smem:$0x3FAD] =	sst s5  }
0xe: {  	[smem:$0x3FAE] =	sst s6  }
0xf: {  	[smem:$0x3FAF] =	sst s7  }
0x10: {  	[smem:$0x3FB0] =	sst s8  }
0x11: {  	[smem:$0x3FB1] =	sst s9;
	s0 =	simm.s32 @!p0 $0x0  }
0x12: {  	s1 =	sld [smem:$0x3F97];
	s0 =	simm.s32 @p0 $0x1  }
0x13: {  	[smem:$0x3FB2] =	sst s0;
	s0 =	simm.s32 @!p1 $0x0  }
0x14: {  	s2 =	sld [smem:$0x3F96];
	s0 =	simm.s32 @p1 $0x1  }
0x15: {  	[smem:$0x3FB3] =	sst s0;
	s0 =	simm.s32 @!p2 $0x0  }
0x16: {  	s3 =	sld [smem:$0x3FDB];
	s0 =	simm.s32 @p2 $0x1  }
0x17: {  	s4 =	simm.s32 $0x1BF5;
	[smem:$0x3FB5] =	sst s0  }
0x18: {  	s0 =	sld [smem:$0x3F98];
	_ =	swait.ge [sflag:s4], $0x0  }
0x19: {  	s7 =	sld [smem:$0x3F99]  }
0x1a: {  	s8 =	sadd.s32 $0xFFFFE003, lr  }
0x1b: {  	s9 =	sadd.s32 $0xFFFFFEF7, lr;
	s5 =	simm.s32 $0xFFFFFFFF;
	p2 =	slt.u32 s8, $0xFFFFF086  }
0x1c: {  	p1 =	slt.u32 s9, $0xF7A;
	s5 =	simm.s32 @!p2 $0x0  }
0x1d: {  	s5 =	simm.s32 @p1 $0x1;
	p0 =	seq.s32 s7, s2  }
0x1e: {  	s7 =	smul.u32 @!p0 $0xF7A, s2;
	p2 =	seq.s32 @!p0 s5, $0x0  }
0x1f: {  	s9 =	smul.u32 $0xF7A, s1;
	s8 =	simm.s32 @!p0 $0x1BF5;
	p2 =	por !p2, p0  }
0x20: {  	[sflag:s8] =	ssyncset.s32 @!p0 $0xFFFFF086;
	s6 =	sadd.s32 @!p0 s3, s7;
	s7 =	simm.s32 @!p0 $0x108  }
0x21: {  	s3 =	sadd.s32 s3, s9;
	s6 =	sadd.s32 @!p0 $0x88, s6;
	s7 =	simm.s32 @p2 $0x1082  }
0x22: {  	[simem:s7], [sflag:s8] =	dma.local @!p0 [hbm:s6], $0xF7A  }
0x23: {  	s9 =	sor.u32 $0xD0000000, s2;
	s6 =	simm.s32 $0x108;
	_ =	swait.ge @!p0 [sflag:s8], $0x0  }
0x24: {  	s3 =	sadd.s32 $0x88, s3;
	s6 =	simm.s32 @!p1 $0x1082;
	[sflag:s4] =	ssyncset.s32 $0xFFFFF086  }
0x25: {  	[simem:s6], [sflag:s4] =	dma.local [hbm:s3], $0xF7A  }
0x26: {  	[smem:$0x3F99] =	sst s1;
	(tag) =	ssettag s2;
	_ =	strace s9  }
0x27: {  	s1 =	sld [smem:$0x3FA9]  }
0x28: {  	s2 =	sld [smem:$0x3FAA]  }
0x29: {  	s4 =	sld [smem:$0x3FAC]  }
0x2a: {  	p0 =	seq.s32 s5, $0x0;
	s5 =	sld [smem:$0x3FAD]  }
0x2b: {  	s6 =	sld [smem:$0x3FAE]  }
0x2c: {  	s7 =	sld [smem:$0x3FAF]  }
0x2d: {  	s3 =	simm.s32 $0x108;
	s8 =	sld [smem:$0x3FB0]  }
0x2e: {  	s3 =	simm.s32 @!p0 $0x1082;
	s9 =	sld [smem:$0x3FB1]  }
0x2f: {  	lr =	sadd.s32 s0, s3;
	s0 =	sld [smem:$0x3FA8]  }
0x30: {  	s3 =	sld [smem:$0x3FAB]  }
0x31: {  	[smem:$0x3FB4] =	sst s10  }
0x32: {  	s10 =	sld [smem:$0x3FB2];
	_ =	sdelay $0x3  }
0x33: {  	p0 =	seq.s32 s10, $0x1;
	s10 =	sld [smem:$0x3FB4];
	_ =	sdelay $0x3  }
0x34: {  	[smem:$0x3FB4] =	sst s10  }
0x35: {  	s10 =	sld [smem:$0x3FB3];
	_ =	sdelay $0x3  }
0x36: {  	p1 =	seq.s32 s10, $0x1;
	s10 =	sld [smem:$0x3FB4];
	_ =	sdelay $0x3  }
0x37: {  	[smem:$0x3FB4] =	sst s10  }
0x38: {  	s10 =	sld [smem:$0x3FB5]  }
0x39: {  	_ = 	snop;
	(pc) =	sbr.ind lr, $3  }
0x3a: {  	_ = 	snop  }
0x3b: {  	_ = 	snop  }
0x3c: {  	p2 =	seq.s32 s10, $0x1;
	s10 =	sld [smem:$0x3FB4]  }
0x3d: {  	_ =	shalt  }
0x3e: {  	_ =	shalt  }
0x3f: {  	_ =	shalt  }
0x40: {  	_ =	shalt  }
0x41: {  	_ =	shalt  }
0x42: {  	_ =	shalt  }
0x43: {  	_ =	shalt  }
0x44: {  	_ =	shalt  }
0x45: {  	_ =	shalt  }
0x46: {  	_ =	shalt  }
0x47: {  	_ =	shalt  }
0x48: {  	_ =	shalt  }
0x49: {  	_ =	shalt  }
0x4a: {  	_ =	shalt  }
0x4b: {  	_ =	shalt  }
0x4c: {  	_ =	shalt  }
0x4d: {  	_ =	shalt  }
0x4e: {  	_ =	shalt  }
0x4f: {  	_ =	shalt  }
0x50: {  	_ =	shalt  }
0x51: {  	_ =	shalt  }
0x52: {  	_ =	shalt  }
0x53: {  	_ =	shalt  }
0x54: {  	_ =	shalt  }
0x55: {  	_ =	shalt  }
0x56: {  	_ =	shalt  }
0x57: {  	_ =	shalt  }
0x58: {  	_ =	shalt  }
0x59: {  	_ =	shalt  }
0x5a: {  	_ =	shalt  }
0x5b: {  	_ =	shalt  }
0x5c: {  	_ =	shalt  }
0x5d: {  	_ =	shalt  }
0x5e: {  	_ =	shalt  }
0x5f: {  	_ =	shalt  }
0x60: {  	_ =	shalt  }
0x61: {  	_ =	shalt  }
0x62: {  	_ =	shalt  }
0x63: {  	_ =	shalt  }
0x64: {  	_ =	shalt  }
0x65: {  	_ =	shalt  }
0x66: {  	_ =	shalt  }
0x67: {  	_ =	shalt  }
0x68: {  	_ =	shalt  }
0x69: {  	_ =	shalt  }
0x6a: {  	_ =	shalt  }
0x6b: {  	_ =	shalt  }
0x6c: {  	_ =	shalt  }
0x6d: {  	_ =	shalt  }
0x6e: {  	_ =	shalt  }
0x6f: {  	_ =	shalt  }
0x70: {  	_ =	shalt  }
0x71: {  	_ =	shalt  }
0x72: {  	_ =	shalt  }
0x73: {  	_ =	shalt  }
0x74: {  	_ =	shalt  }
0x75: {  	_ =	shalt  }
0x76: {  	_ =	shalt  }
0x77: {  	_ =	shalt  }
0x78: {  	_ =	shalt  }
0x79: {  	_ =	shalt  }
0x7a: {  	_ =	shalt  }
0x7b: {  	_ =	shalt  }
0x7c: {  	_ =	shalt  }
0x7d: {  	_ =	shalt  }
0x7e: {  	_ =	shalt  }
0x7f: {  	_ =	shalt  }
0x80: {  	_ =	shalt  }
0x81: {  	_ =	shalt  }
0x82: {  	_ =	shalt  }
0x83: {  	_ =	shalt  }
0x84: {  	_ =	shalt  }
0x85: {  	_ =	shalt  }
0x86: {  	_ =	shalt  }
0x87: {  	_ =	shalt  }
.Lfunc_end0:
.L_simem_size_0:
called_computation.1_lowered:
.L_overlay_start_0:
0x88: {  	s2 =	sld [smem:$0x3FD9]  }
0x89: {  	s3 =	sld [smem:$0x3FFE];
	_ =	sdelay $0x1  }
0x8a: {  	s1 =	srdreg.scid  }
0x8b: {  	s0 =	sand.u32 $0x1, s1  }
0x8c: {  	s17 =	sshll.u32 s0, $0xA;
	s2 =	sadd.s32 s3, s2  }
0x8d: {  	s2 =	sadd.s32 s2, s17  }
0x8e: {  	[smem:$0x3FC0] =	sst s2  }
0x8f: {  	_ = 	snop  }
0x90: {  	s2 =	sld [smem:$0x3FC9]  }
0x91: {  	s18 =	sld [smem:$0x3FC8]  }
0x92: {  	s4 =	sld [smem:$0x3FD0];
	(tm) =	ssettm $0x1  }
0x93: {  	s5 =	sld [smem:$0x3FFB];
	_ =	sdelay $0x3  }
0x94: {  	_ =	strace s5  }
0x95: {  	s5 =	sld [smem:$0x3FFC];
	_ =	sdelay $0x3  }
0x96: {  	_ =	strace s5  }
0x97: {  	s5 =	sld [smem:$0x3FFD];
	_ =	sdelay $0x3  }
0x98: {  	_ =	strace s5  }
0x99: {  	_ =	strace $0x8FFFFFFF  }
0x9a: {  	s19 =	sld [smem:$0x3FDB];
	_ =	sdelay $0x1  }
0x9b: {  	s6 =	simm.s32 $_scs_section_size  }
0x9c: {  	s7 =	simm.s32 $_size__tile_overlayer_lowered;
	s8 =	simm.s32 $_tile_overlayer_lowered  }
0x9d: {  	s22 =	simm.s32 $0x1BFF;
	s21 =	sshll.u32 s8, $0x1;
	s5 =	sadd.s32 s6, s19  }
0x9e: {  	s9 =	simm.s32 $0x0;
	s20 =	sshll.u32 s7, $0x1;
	s7 =	sadd.s32 s21, s5  }
0x9f: {  	[timem:s9], [sflag:s22] =	dma.local [hbm:s7], s20  }
0xa0: {  	_ =	swait.ge [sflag:s22], s20  }
0xa1: {  	s6 =	ssub.s32 $0x0, s20;
	[sflag:s22] =	ssyncset.done $0x0  }
0xa2: {  	[sflag:s22] =	ssyncadd.s32 s6;
	_ =	sdelay $0x1  }
0xa3: {  	s23 =	simm.s32 $0x1B8B  }
0xa4: {  	_ =	swait.ge [sflag:s23], $0x1  }
0xa5: {  	[sflag:s23] =	ssyncset.done $0x0  }
0xa6: {  	s25 =	simm.s32 $0x1B8E;
	s24 =	sld [smem:$0x3FFE];
	[sflag:s23] =	ssyncadd.s32 $0xFFFFFFFF  }
0xa7: {  	s26 =	simm.s32 $execute0_lowered;
	[smem:$0x3FD2] =	sst s25  }
0xa8: {  	s7 =	sshll.u32 s26, $0x1;
	_ =	strace $0x80000049;
	[dreg:$0x1] =	wrdreg $0xFFFFFFFF  }
0xa9: {  	s28 =	simm.s32 $_size_execute0_lowered;
	s5 =	sadd.s32 s5, s7;
	[dreg:$0x0] =	wrdreg $0x0  }
0xaa: {  	s7 =	sshll.u32 s28, $0x1;
	[dreg:$0x2] =	wrdreg s5  }
0xab: {  	[dreg:$0x3] =	wrdreg s7  }
0xac: {  	[dreg:$0x4] =	wrdreg $0xC0  }
0xad: {  	_ =	task [dreg:s9], $0x5FFFF  }
0xae: {  	[dreg:$0x1] =	wrdreg $0xFFFFFFFF  }
0xaf: {  	[dreg:$0x0] =	wrdreg $0x60  }
0xb0: {  	[dreg:$0x2] =	wrdreg s2  }
0xb1: {  	[dreg:$0x3] =	wrdreg s18  }
0xb2: {  	[dreg:$0x4] =	wrdreg s4  }
0xb3: {  	[dreg:$0x5] =	wrdreg s24  }
0xb4: {  	[dreg:$0x6] =	wrdreg $0x9  }
0xb5: {  	_ =	task.clear_ibuf [dreg:s9], $0x7FFFF;
	_ =	strace $0x90000049  }
0xb6: {  	s29 =	simm.s32 $0x9;
	_ =	strace $0x8000004B  }
0xb7: {  	_ =	swait.ge [sflag:s29], $0x1  }
0xb8: {  	[sflag:s29] =	ssyncadd.s32 $0xFFFFFFFF  }
0xb9: {  	_ =	strace $0x9000004B  }
0xba: {  	_ =	sfence  }
0xbb: {  	s30 =	sld [smem:$0x0];
	_ =	sdelay $0x2  }
0xbc: {  	s31 =	sshll.u32 s1, $0xD;
	s1 =	sshrl.u32 s1, $0x2  }
0xbd: {  	s3 =	sand.u32 $0x4000, s31;
	s1 =	sadd.s32 s1, s30  }
0xbe: {  	s0 =	sor.u32 s3, s0;
	s1 =	sshll.u32 s1, $0x11  }
0xbf: {  	s0 =	sor.u32 s1, s0  }
0xc0: {  	s0 =	sadd.s32 $0x8F2B, s0  }
0xc1: {  	[sflag:s0] =	ssyncadd.remote.s32 $0x1  }
0xc2: {  	_ =	sfence.sel $0xFFFF  }
0xc3: {  	[dreg:$0x0] =	wrdreg $0xFFFFFFFF;
	(pc) =	sbr.abs _section_cstart, $3  }
0xc4: {  	[dreg:$0x1] =	wrdreg $0xFFFFFFFF  }
0xc5: {  	_ =	task.clear_ibuf [dreg:s9], $0x2FFFF;
	_ =	strace $0x9FFFFFFF  }
0xc6: {  	(tm) =	ssettm $0x7FFFFFFF  }
0xc7: {  	_ =	shalt  }
tec
execute0_lowered:
.L_overlay_start_1:
0x0: {  	(tag) =	ssettag $0x1  }
0x1: {  	s1 =	rddreg [dreg:$0x0]  }
0x2: {  	s2 =	rddreg [dreg:$0x1]  }
0x3: {  	s0 =	rddreg [dreg:$0x2]  }
0x4: {  	s3 =	rddreg [dreg:$0x3]  }
0x5: {  	s4 =	srdreg.scid;
	s6 =	stileid.u32;
	s12 =	simm.s32 $0x6  }
0x6: {  	s13 =	simm.s32 $0x100;
	s14 =	simm.s32 $0x80;
	s22 =	simm.s32 $0x1  }
0x7: {  	s23 =	simm.s32 $0x2;
	s25 =	simm.s32 $0x3;
	s26 =	simm.s32 $0x4  }
0x8: {  	s28 =	simm.s32 $0x14400;
	s29 =	simm.s32 $0x5;
	s30 =	simm.s32 $0x0  }
0x9: {  	s5 =	sand.u32 $0x1, s4;
	s4 =	simm.s32 $0x0;
	s6 =	sshll.u32 s6, $0x9  }
0xa: {  	s7 =	sshll.u32 s5, $0x8;
	[smem:$0x7FF] =	sst s4;
	s5 =	ssub.s32 $0x2, s5  }
0xb: {  	s6 =	sor.u32 s7, s6;
	_ =	strace $0x8000004A;
	s9 =	sshrl.u32 s5, $0x1  }
0xc: {  	s7 =	sshrl.u32 s6, $0x3;
	s6 =	sshll.u32 s6, $0x4;
	s11 =	ssub.s32 s5, s9  }
0xd: {  	s8 =	sadd.s32 s7, s3;
	s3 =	sadd.s32 s6, s3;
	s5 =	sadd.s32 s0, s7  }
0xe: {  	s11 =	smax.u32 s11, $0x1;
	s6 =	sadd.s32 $0x1C00, s8;
	s7 =	sadd.s32 $0x1800, s8  }
0xf: {  	s8 =	sadd.s32 $0x1000, s8;
	s9 =	sadd.s32 $0x2000, s3;
	s10 =	sadd.s32 $0x2800, s3  }
.LBB2_1:
0x10: {  	[tilespmem:s4], [sflag:$0x6] =	stream.linear.gather [hbm4b:s5+s4], $0x100, $0x38;
	[tilespmem:$0x18400] =	vst v63  }
0x11: {  	_ =	swait.ge [sflag:s12], $0x100  }
0x12: {  	[sflag:s12] =	ssyncset.done $0x0  }
0x13: {  	[sflag:s12] =	ssyncadd.s32 $0xFFFFFF00  }
0x14: {  	[tilespmem:s13], [sflag:$0x6] =	stream.linear.gather [hbm4b:s6+s4], $0x100, $0x38;
	[tilespmem:$0x18400] =	vst v63  }
0x15: {  	_ =	swait.ge [sflag:s12], $0x100  }
0x16: {  	[sflag:s12] =	ssyncset.done $0x0  }
0x17: {  	s0 =	simm.s32 $0x400;
	[sflag:s12] =	ssyncadd.s32 $0xFFFFFF00  }
0x18: {  	[tilespmem:s0], [sflag:$0x1] =	stream.indirect.gather [hbm4b:s1+s14], $0x80, s4, s14, $0xb8;
	[tilespmem:$0x18400] =	vst v63  }
0x19: {  	s17 =	simm.s32 $0x8400  }
0x1a: {  	[tilespmem:s17], [sflag:$0x2] =	stream.indirect.gather [hbm4b:s2+s14], $0x80, s13, s14, $0xb8;
	[tilespmem:$0x18400] =	vst v63  }
0x1b: {  	s18 =	simm.s32 $0x4400  }
0x1c: {  	[tilespmem:s18], [sflag:$0x3] =	stream.indirect.gather [hbm4b:s1+s14], $0x80, s14, s14, $0xb8;
	[tilespmem:$0x18400] =	vst v63  }
0x1d: {  	s19 =	simm.s32 $0x180;
	s3 =	simm.s32 $0xC400  }
0x1e: {  	[tilespmem:s3], [sflag:$0x4] =	stream.indirect.gather [hbm4b:s2+s14], $0x80, s19, s14, $0xb8;
	[tilespmem:$0x18400] =	vst v63  }
0x1f: {  	s20 =	simm.s32 $0x200  }
0x20: {  	[tilespmem:s20], [sflag:$0x6] =	stream.linear.gather [hbm4b:s7+s4], $0x100, $0x38;
	[tilespmem:$0x18400] =	vst v63  }
0x21: {  	_ =	swait.ge [sflag:s12], $0x100  }
0x22: {  	[sflag:s12] =	ssyncset.done $0x0  }
0x23: {  	s21 =	simm.s32 $0x300;
	[sflag:s12] =	ssyncadd.s32 $0xFFFFFF00  }
0x24: {  	[tilespmem:s21], [sflag:$0x6] =	stream.linear.gather [hbm4b:s8+s4], $0x100, $0x38;
	[tilespmem:$0x18400] =	vst v63  }
0x25: {  	_ =	swait.ge [sflag:s12], $0x100  }
0x26: {  	[sflag:s12] =	ssyncset.done $0x0  }
0x27: {  	[sflag:s12] =	ssyncadd.s32 $0xFFFFFF00  }
0x28: {  	_ =	swait.ge [sflag:s22], $0x4000  }
0x29: {  	[sflag:s22] =	ssyncset.done $0x0  }
0x2a: {  	[sflag:s22] =	ssyncadd.s32 $0xFFFFC000  }
0x2b: {  	_ =	swait.ge [sflag:s23], $0x4000  }
0x2c: {  	s24 =	simm.s32 $0x0;
	[sflag:s23] =	ssyncset.done $0x0  }
0x2d: {  	s15 =	sand.u32 $0x70, s24;
	[sflag:s23] =	ssyncadd.s32 $0xFFFFC000  }
0x2e: {  	v2 =	vld [tilespmem:s15+$0x200]  }
0x2f: {  	s18 =	simm.s32 $0x500;
	v3 =	vld [tilespmem:s15+$0x300]  }
0x30: {  	s17 =	simm.s32 $0x8500;
	v0 =	vld [tilespmem:s18+$0x0]  }
0x31: {  	s16 =	simm.s32 $0x2;
	v1 =	vld [tilespmem:s17+$0x0]  }
0x32: {  	s3 =	sand.u32 $0xE, s16  }
0x33: {  	v4 =	vmov s3  }
0x34: {  	v10 =	vperm.xlane v3, v4;
	v11 =	vperm.xlane v2, v4;
	_ =	sdelay $0x1  }
0x35: {  	s19 =	simm.s32 $0x3;
	v5 =	vld [tilespmem:s17+$0x80];
	v0 =	vmul.f32 v0, v11;
	v1 =	vmul.f32 v1, v10  }
0x36: {  	s3 =	sand.u32 $0xF, s19;
	v4 =	vld [tilespmem:s18+$0x80]  }
0x37: {  	v6 =	vmov s3;
	s20 =	simm.s32 $0x1;
	v8 =	vld [tilespmem:s17+$0xFFFFFF80];
	v7 =	vadd.f32 v1, v0  }
0x38: {  	s31 =	simm.s32 $0x10500;
	s3 =	sand.u32 $0xD, s20;
	v0 =	vperm.xlane v2, v6;
	v1 =	vperm.xlane v3, v6;
	v6 =	vld [tilespmem:s18+$0xFFFFFF80]  }
0x39: {  	v9 =	vmov s3;
	[tilespmem:s31+$0x0] =	vst v7  }
0x3a: {  	v13 =	vperm.xlane v2, v9;
	v12 =	vperm.xlane v3, v9;
	v7 =	vld [tilespmem:s18+$0x10]  }
0x3b: {  	v4 =	vmul.f32 v4, v0;
	v5 =	vmul.f32 v5, v1;
	v14 =	vld [tilespmem:s17+$0x10];
	_ =	sdelay $0x1  }
0x3c: {  	v8 =	vmul.f32 v8, v12;
	v4 =	vadd.f32 v5, v4;
	v5 =	vld [tilespmem:s18+$0xFFFFFF00];
	v6 =	vmul.f32 v6, v13  }
0x3d: {  	s0 =	sand.u32 $0xC, s24  }
0x3e: {  	v9 =	vld [tilespmem:s17+$0xFFFFFF00];
	[tilespmem:s31+$0x80] =	vst v4;
	v4 =	vmov s0;
	v6 =	vadd.f32 v8, v6;
	v7 =	vmul.f32 v7, v11  }
0x3f: {  	v16 =	vld [tilespmem:s18+$0x90];
	v17 =	vmul.f32 v14, v10;
	v14 =	vperm.xlane v2, v4  }
0x40: {  	v8 =	vld [tilespmem:s17+$0x90];
	[tilespmem:s31+$0xFFFFFF80] =	vst v6  }
0x41: {  	v15 =	vperm.xlane v3, v4;
	v2 =	vadd.f32 v17, v7;
	v3 =	vmul.f32 v5, v14;
	v5 =	vld [tilespmem:s18+$0xFFFFFF90]  }
0x42: {  	v6 =	vld [tilespmem:s17+$0xFFFFFF90]  }
0x43: {  	v4 =	vmul.f32 v9, v15;
	[tilespmem:s31+$0x10] =	vst v2  }
0x44: {  	v7 =	vld [tilespmem:s18+$0x20]  }
0x45: {  	v2 =	vadd.f32 v4, v3;
	v3 =	vmul.f32 v16, v0;
	v4 =	vmul.f32 v8, v1;
	v8 =	vld [tilespmem:s17+$0x20];
	_ =	sdelay $0x1  }
0x46: {  	[tilespmem:s31+$0xFFFFFF00] =	vst v2;
	v2 =	vadd.f32 v4, v3;
	v4 =	vmul.f32 v5, v13;
	v6 =	vmul.f32 v6, v12  }
0x47: {  	v3 =	vld [tilespmem:s18+$0xFFFFFF10]  }
0x48: {  	v5 =	vld [tilespmem:s17+$0xFFFFFF10];
	[tilespmem:s31+$0x90] =	vst v2;
	v4 =	vadd.f32 v6, v4  }
0x49: {  	v6 =	vld [tilespmem:s17+$0xA0];
	v7 =	vmul.f32 v7, v11;
	v8 =	vmul.f32 v8, v10  }
0x4a: {  	v2 =	vld [tilespmem:s18+$0xA0];
	[tilespmem:s31+$0xFFFFFF90] =	vst v4  }
0x4b: {  	v4 =	vadd.f32 v8, v7;
	v7 =	vld [tilespmem:s18+$0xFFFFFFA0]  }
0x4c: {  	v8 =	vld [tilespmem:s17+$0xFFFFFFA0]  }
0x4d: {  	v3 =	vmul.f32 v3, v14;
	v5 =	vmul.f32 v5, v15;
	[tilespmem:s31+$0x20] =	vst v4  }
0x4e: {  	v4 =	vmul.f32 v6, v1;
	v6 =	vld [tilespmem:s18+$0x30]  }
0x4f: {  	v2 =	vmul.f32 v2, v0;
	v3 =	vadd.f32 v5, v3;
	v5 =	vld [tilespmem:s17+$0x30];
	_ =	sdelay $0x1  }
0x50: {  	v2 =	vadd.f32 v4, v2;
	[tilespmem:s31+$0xFFFFFF10] =	vst v3;
	v4 =	vmul.f32 v7, v13;
	v7 =	vmul.f32 v8, v12  }
0x51: {  	v3 =	vld [tilespmem:s18+$0xFFFFFF20]  }
0x52: {  	v8 =	vld [tilespmem:s17+$0xFFFFFF20];
	[tilespmem:s31+$0xA0] =	vst v2;
	v4 =	vadd.f32 v7, v4  }
0x53: {  	v7 =	vld [tilespmem:s18+$0xB0];
	v6 =	vmul.f32 v6, v11;
	v5 =	vmul.f32 v5, v10  }
0x54: {  	v2 =	vld [tilespmem:s17+$0xB0];
	[tilespmem:s31+$0xFFFFFFA0] =	vst v4  }
0x55: {  	v4 =	vadd.f32 v5, v6;
	v5 =	vld [tilespmem:s17+$0xFFFFFFB0]  }
0x56: {  	v6 =	vld [tilespmem:s18+$0xFFFFFFB0]  }
0x57: {  	v3 =	vmul.f32 v3, v14;
	[tilespmem:s31+$0x30] =	vst v4  }
0x58: {  	v8 =	vmul.f32 v8, v15;
	v4 =	vmul.f32 v7, v0;
	v7 =	vld [tilespmem:s18+$0x40]  }
0x59: {  	s16 =	simm.s32 $0x8700;
	v2 =	vmul.f32 v2, v1;
	v9 =	vld [tilespmem:s17+$0x40]  }
0x5a: {  	v18 =	vld [tilespmem:s16+$0xFFFFFF80];
	v3 =	vadd.f32 v8, v3  }
0x5b: {  	v21 =	vld [tilespmem:s16+$0x0];
	v2 =	vadd.f32 v2, v4;
	v4 =	vmul.f32 v6, v13;
	v5 =	vmul.f32 v5, v12  }
0x5c: {  	v23 =	vld [tilespmem:s16+$0xFFFFFF00];
	[tilespmem:s31+$0xFFFFFF20] =	vst v3  }
0x5d: {  	v3 =	vld [tilespmem:s18+$0xFFFFFF30];
	[tilespmem:s31+$0xB0] =	vst v2;
	v2 =	vadd.f32 v5, v4  }
0x5e: {  	v16 =	vld [tilespmem:s18+$0xC0];
	v4 =	vmul.f32 v7, v11;
	v5 =	vmul.f32 v9, v10  }
0x5f: {  	v17 =	vld [tilespmem:s17+$0xC0];
	[tilespmem:s31+$0xFFFFFFB0] =	vst v2  }
0x60: {  	v4 =	vadd.f32 v5, v4;
	v5 =	vld [tilespmem:s18+$0xFFFFFFC0]  }
0x61: {  	s15 =	simm.s32 $0x4;
	v6 =	vld [tilespmem:s17+$0xFFFFFFC0]  }
0x62: {  	s21 =	sand.u32 $0x70, s15;
	v2 =	vld [tilespmem:s17+$0xFFFFFF30]  }
0x63: {  	v19 =	vld [tilespmem:s21+$0x300];
	[tilespmem:s31+$0x40] =	vst v4  }
0x64: {  	v4 =	vld [tilespmem:s18+$0x50]  }
0x65: {  	v16 =	vmul.f32 v16, v0;
	v17 =	vmul.f32 v17, v1;
	v7 =	vld [tilespmem:s17+$0x50]  }
0x66: {  	s0 =	simm.s32 $0x700;
	v8 =	vld [tilespmem:s21+$0x200];
	v5 =	vmul.f32 v5, v13;
	v6 =	vmul.f32 v6, v12  }
0x67: {  	v20 =	vld [tilespmem:s0+$0xFFFFFF80];
	v3 =	vmul.f32 v3, v14;
	v2 =	vmul.f32 v2, v15;
	v16 =	vadd.f32 v17, v16  }
0x68: {  	s24 =	simm.s32 $0x5;
	v29 =	vld [tilespmem:s0+$0x80];
	v5 =	vadd.f32 v6, v5  }
0x69: {  	s3 =	sand.u32 $0xD, s24;
	v9 =	vld [tilespmem:s0+$0xFFFFFF00];
	v2 =	vadd.f32 v2, v3;
	[tilespmem:s31+$0xC0] =	vst v16  }
0x6a: {  	s19 =	simm.s32 $0x6;
	v3 =	vmov s3;
	v6 =	vld [tilespmem:s0+$0x0];
	v4 =	vmul.f32 v4, v11;
	[tilespmem:s31+$0xFFFFFFC0] =	vst v5;
	v5 =	vmul.f32 v7, v10  }
0x6b: {  	s19 =	sand.u32 $0xE, s19;
	v43 =	vld [tilespmem:s18+$0xD0];
	[tilespmem:s31+$0xFFFFFF30] =	vst v2;
	v2 =	vperm.xlane v8, v3  }
0x6c: {  	v3 =	vperm.xlane v19, v3;
	v22 =	vld [tilespmem:s17+$0xFFFFFFD0];
	v7 =	vadd.f32 v5, v4;
	v5 =	vmov s19  }
0x6d: {  	s21 =	simm.s32 $0x7;
	v24 =	vld [tilespmem:s18+$0xFFFFFFD0];
	v4 =	vperm.xlane v19, v5;
	v5 =	vperm.xlane v8, v5  }
0x6e: {  	s20 =	sand.u32 $0xC, s15;
	s24 =	sand.u32 $0xF, s21;
	v44 =	vld [tilespmem:s17+$0xD0];
	v20 =	vmul.f32 v20, v2;
	v18 =	vmul.f32 v18, v3  }
0x6f: {  	v27 =	vmov s24;
	v25 =	vld [tilespmem:s18+$0xFFFFFF40];
	[tilespmem:s31+$0x50] =	vst v7;
	v7 =	vmov s20;
	v28 =	vmul.f32 v6, v5  }
0x70: {  	v18 =	vadd.f32 v18, v20;
	v20 =	vld [tilespmem:s16+$0x80];
	v21 =	vmul.f32 v21, v4;
	v6 =	vperm.xlane v8, v7  }
0x71: {  	v26 =	vld [tilespmem:s18+$0x60];
	v7 =	vperm.xlane v19, v7;
	v8 =	vperm.xlane v8, v27  }
0x72: {  	s3 =	simm.s32 $0x10700;
	v56 =	vld [tilespmem:s17+$0x60];
	v24 =	vmul.f32 v24, v13;
	v22 =	vmul.f32 v22, v12  }
0x73: {  	[tilespmem:s3+$0xFFFFFF80] =	vst v18;
	v18 =	vld [tilespmem:s17+$0xFFFFFF40];
	v21 =	vadd.f32 v21, v28;
	v30 =	vmul.f32 v9, v6;
	v9 =	vperm.xlane v19, v27  }
0x74: {  	v57 =	vld [tilespmem:s0+$0xFFFFFF90];
	v23 =	vmul.f32 v23, v7  }
0x75: {  	v59 =	vld [tilespmem:s16+$0xFFFFFF90];
	v60 =	vmul.f32 v29, v8;
	v19 =	vadd.f32 v22, v24;
	[tilespmem:s3+$0x0] =	vst v21;
	v20 =	vmul.f32 v20, v9  }
0x76: {  	v23 =	vadd.f32 v23, v30;
	v58 =	vld [tilespmem:s0+$0x10]  }
0x77: {  	[tilespmem:s31+$0xFFFFFFD0] =	vst v19;
	v62 =	vld [tilespmem:s16+$0x10];
	v20 =	vadd.f32 v20, v60  }
0x78: {  	v26 =	vmul.f32 v26, v11;
	v61 =	vmul.f32 v56, v10;
	v19 =	vld [tilespmem:s18+$0xFFFFFFE0];
	[tilespmem:s3+$0xFFFFFF00] =	vst v23  }
0x79: {  	v18 =	vmul.f32 v18, v15;
	v63 =	vld [tilespmem:s0+$0xFFFFFF10];
	[tilespmem:s3+$0x80] =	vst v20;
	v20 =	vmul.f32 v25, v14  }
0x7a: {  	v23 =	vadd.f32 v61, v26;
	v33 =	vld [tilespmem:s0+$0x90]  }
0x7b: {  	v21 =	vmul.f32 v57, v2;
	v34 =	vld [tilespmem:s16+$0x90];
	v18 =	vadd.f32 v18, v20;
	v20 =	vmul.f32 v59, v3  }
0x7c: {  	v32 =	vld [tilespmem:s16+$0xFFFFFF10];
	[tilespmem:s31+$0x60] =	vst v23;
	v22 =	vmul.f32 v58, v5;
	v28 =	vmul.f32 v62, v4  }
0x7d: {  	v35 =	vld [tilespmem:s18+$0x70];
	[tilespmem:s31+$0xFFFFFF40] =	vst v18;
	v18 =	vadd.f32 v20, v21  }
0x7e: {  	v20 =	vld [tilespmem:s17+$0xFFFFFFE0];
	v22 =	vadd.f32 v28, v22  }
0x7f: {  	v38 =	vld [tilespmem:s18+$0xFFFFFF50];
	[tilespmem:s3+$0xFFFFFF90] =	vst v18  }
0x80: {  	v39 =	vld [tilespmem:s17+$0xFFFFFF50];
	v18 =	vmul.f32 v33, v8;
	v23 =	vmul.f32 v34, v9;
	[tilespmem:s3+$0x10] =	vst v22  }
0x81: {  	v22 =	vld [tilespmem:s0+$0x20]  }
0x82: {  	v41 =	vld [tilespmem:s16+$0x20];
	v18 =	vadd.f32 v23, v18  }
0x83: {  	v37 =	vmul.f32 v63, v6;
	v26 =	vmul.f32 v32, v7;
	v40 =	vld [tilespmem:s0+$0xFFFFFFA0]  }
0x84: {  	v16 =	vmul.f32 v19, v13;
	v45 =	vld [tilespmem:s16+$0xFFFFFFA0];
	v19 =	vmul.f32 v20, v12;
	[tilespmem:s3+$0x90] =	vst v18  }
0x85: {  	v21 =	vadd.f32 v26, v37;
	v18 =	vmul.f32 v38, v14;
	v25 =	vmul.f32 v39, v15;
	v42 =	vld [tilespmem:s0+$0xA0]  }
0x86: {  	v20 =	vld [tilespmem:s16+$0xA0];
	v16 =	vadd.f32 v19, v16  }
0x87: {  	v36 =	vld [tilespmem:s17+$0x70];
	[tilespmem:s3+$0xFFFFFF10] =	vst v21;
	v18 =	vadd.f32 v25, v18;
	v19 =	vmul.f32 v22, v5;
	v21 =	vmul.f32 v41, v4  }
0x88: {  	v17 =	vld [tilespmem:s0+$0xFFFFFF20];
	[tilespmem:s31+$0xFFFFFFE0] =	vst v16  }
0x89: {  	v49 =	vmul.f32 v40, v2;
	v50 =	vmul.f32 v45, v3;
	[tilespmem:s31+$0xFFFFFF50] =	vst v18;
	v16 =	vadd.f32 v21, v19;
	v46 =	vld [tilespmem:s18+$0xFFFFFFF0]  }
0x8a: {  	v18 =	vld [tilespmem:s17+$0xFFFFFF60]  }
0x8b: {  	v22 =	vadd.f32 v50, v49;
	v19 =	vmul.f32 v42, v8;
	v20 =	vmul.f32 v20, v9;
	[tilespmem:s3+$0x20] =	vst v16;
	v16 =	vld [tilespmem:s18+$0xFFFFFF60]  }
0x8c: {  	v48 =	vld [tilespmem:s0+$0x30]  }
0x8d: {  	v47 =	vmul.f32 v43, v0;
	[tilespmem:s3+$0xFFFFFFA0] =	vst v22;
	v51 =	vld [tilespmem:s16+$0x30];
	v19 =	vadd.f32 v20, v19;
	v20 =	vmul.f32 v44, v1  }
0x8e: {  	v55 =	vld [tilespmem:s16+$0xFFFFFFB0]  }
0x8f: {  	[tilespmem:s3+$0xA0] =	vst v19;
	v19 =	vld [tilespmem:s16+$0xFFFFFF20];
	v20 =	vadd.f32 v20, v47  }
0x90: {  	v18 =	vmul.f32 v18, v15;
	v52 =	vld [tilespmem:s16+$0xB0];
	v16 =	vmul.f32 v16, v14  }
0x91: {  	v53 =	vld [tilespmem:s0+$0xB0];
	[tilespmem:s31+$0xD0] =	vst v20  }
0x92: {  	v54 =	vmul.f32 v48, v5;
	v27 =	vmul.f32 v51, v4;
	v20 =	vld [tilespmem:s18+$0xE0];
	v16 =	vadd.f32 v18, v16  }
0x93: {  	v18 =	vld [tilespmem:s0+$0xFFFFFFB0]  }
0x94: {  	v22 =	vadd.f32 v27, v54;
	[tilespmem:s31+$0xFFFFFF60] =	vst v16;
	v16 =	vld [tilespmem:s17+$0xE0]  }
0x95: {  	v17 =	vmul.f32 v17, v6;
	v19 =	vmul.f32 v19, v7;
	v56 =	vld [tilespmem:s18+$0xFFFFFF70]  }
0x96: {  	v26 =	vmul.f32 v53, v8;
	v23 =	vmul.f32 v52, v9;
	[tilespmem:s3+$0x30] =	vst v22;
	v57 =	vld [tilespmem:s17+$0xFFFFFF70]  }
0x97: {  	v58 =	vld [tilespmem:s0+$0x40];
	v17 =	vadd.f32 v19, v17  }
0x98: {  	v19 =	vld [tilespmem:s16+$0x40];
	v23 =	vadd.f32 v23, v26  }
0x99: {  	v59 =	vld [tilespmem:s17+$0xFFFFFFF0];
	v20 =	vmul.f32 v20, v0;
	[tilespmem:s3+$0xFFFFFF20] =	vst v17;
	v16 =	vmul.f32 v16, v1  }
0x9a: {  	v11 =	vmul.f32 v35, v11;
	v10 =	vmul.f32 v36, v10;
	[tilespmem:s3+$0xB0] =	vst v23;
	v61 =	vld [tilespmem:s0+$0xFFFFFF30]  }
0x9b: {  	v60 =	vmul.f32 v55, v3;
	v18 =	vmul.f32 v18, v2;
	v17 =	vld [tilespmem:s0+$0xC0];
	v16 =	vadd.f32 v16, v20  }
0x9c: {  	v10 =	vadd.f32 v10, v11;
	v11 =	vmul.f32 v56, v14;
	v15 =	vmul.f32 v57, v15;
	v20 =	vld [tilespmem:s16+$0xC0]  }
0x9d: {  	v18 =	vadd.f32 v60, v18;
	v14 =	vld [tilespmem:s16+$0xFFFFFF30];
	v62 =	vmul.f32 v58, v5;
	v19 =	vmul.f32 v19, v4;
	[tilespmem:s31+$0xE0] =	vst v16  }
0x9e: {  	[tilespmem:s31+$0x70] =	vst v10;
	v10 =	vadd.f32 v15, v11;
	v11 =	vld [tilespmem:s18+$0xF0]  }
0x9f: {  	v63 =	vmul.f32 v59, v12;
	[tilespmem:s3+$0xFFFFFFB0] =	vst v18;
	v15 =	vmul.f32 v46, v13;
	v19 =	vadd.f32 v19, v62;
	v12 =	vld [tilespmem:s17+$0xF0]  }
0xa0: {  	v16 =	vld [tilespmem:s0+$0xFFFFFFC0];
	[tilespmem:s31+$0xFFFFFF70] =	vst v10;
	v18 =	vmul.f32 v61, v6  }
0xa1: {  	v10 =	vadd.f32 v63, v15;
	v15 =	vld [tilespmem:s16+$0xFFFFFFC0];
	s18 =	simm.s32 $0x900;
	s17 =	simm.s32 $0x8700;
	v13 =	vmul.f32 v17, v8;
	[tilespmem:s3+$0x40] =	vst v19;
	v17 =	vmul.f32 v20, v9  }
.LBB2_2:
0xa2: {  	v14 =	vmul.f32 v14, v7;
	v19 =	vld [tilespmem:s0+$0x50];
	s16 =	sadd.s32 $0x200, s16;
	s19 =	smov.u32 s15;
	s15 =	sadd.s32 $0x4, s15  }
0xa3: {  	s20 =	sand.u32 $0xC, s15;
	s21 =	sand.u32 $0x70, s15;
	v20 =	vld [tilespmem:s18+$0xFFFFFF00];
	p0 =	slt.u32 s15, $0x7C;
	v13 =	vadd.f32 v17, v13;
	v11 =	vmul.f32 v11, v0;
	v0 =	vmov v8  }
0xa4: {  	v17 =	vld [tilespmem:s21+$0x200];
	v8 =	vadd.f32 v14, v18;
	v12 =	vmul.f32 v12, v1;
	v1 =	vmov v9  }
0xa5: {  	v9 =	vmul.f32 v16, v2;
	v14 =	vld [tilespmem:s17+$0x50];
	[tilespmem:s31+$0xFFFFFFF0] =	vst v10  }
0xa6: {  	s24 =	sadd.s32 $0x7, s19;
	v16 =	vld [tilespmem:s16+$0xFFFFFF80];
	[tilespmem:s3+$0xFFFFFF30] =	vst v8;
	v8 =	vmul.f32 v15, v3;
	v10 =	vadd.f32 v12, v11  }
0xa7: {  	s24 =	sand.u32 $0xF, s24;
	v15 =	vld [tilespmem:s21+$0x300];
	s21 =	sadd.s32 $0x6, s19;
	v11 =	vmul.f32 v19, v5;
	[tilespmem:s3+$0xC0] =	vst v13  }
0xa8: {  	v18 =	vmov s20;
	v21 =	vmov s24;
	s19 =	sadd.s32 $0x5, s19;
	v19 =	vld [tilespmem:s18+$0xFFFFFF80];
	s20 =	sand.u32 $0xE, s21;
	v8 =	vadd.f32 v8, v9;
	[tilespmem:s31+$0xF0] =	vst v10;
	s31 =	smov.u32 s3  }
0xa9: {  	s19 =	sand.u32 $0xD, s19;
	v9 =	vmov s20;
	v22 =	vld [tilespmem:s18+$0x0]  }
0xaa: {  	v10 =	vmov s19;
	v23 =	vld [tilespmem:s16+$0x0];
	[tilespmem:s3+$0xFFFFFFC0] =	vst v8;
	v12 =	vmul.f32 v14, v4  }
0xab: {  	v13 =	vperm.xlane v17, v10;
	v14 =	vld [tilespmem:s17+$0xFFFFFFD0]  }
0xac: {  	v8 =	vperm.xlane v17, v21;
	v24 =	vld [tilespmem:s16+$0xFFFFFF00];
	v10 =	vperm.xlane v15, v10;
	v25 =	vadd.f32 v12, v11  }
0xad: {  	v12 =	vperm.xlane v17, v18;
	v26 =	vperm.xlane v15, v9;
	v27 =	vld [tilespmem:s0+$0xFFFFFFD0]  }
0xae: {  	v11 =	vperm.xlane v15, v18;
	v17 =	vperm.xlane v17, v9;
	v9 =	vld [tilespmem:s0+$0xFFFFFF40];
	[tilespmem:s3+$0x50] =	vst v25  }
0xaf: {  	v18 =	vmul.f32 v19, v13;
	v16 =	vmul.f32 v16, v10;
	s3 =	sadd.s32 $0x200, s3;
	v19 =	vld [tilespmem:s0+$0x60]  }
0xb0: {  	v22 =	vmul.f32 v22, v17;
	v23 =	vmul.f32 v23, v26;
	v25 =	vld [tilespmem:s18+$0x80]  }
0xb1: {  	v20 =	vmul.f32 v20, v12;
	v16 =	vadd.f32 v16, v18;
	v24 =	vmul.f32 v24, v11;
	v18 =	vld [tilespmem:s16+$0x80]  }
0xb2: {  	v14 =	vmul.f32 v14, v3;
	v22 =	vadd.f32 v23, v22;
	v23 =	vmul.f32 v27, v2;
	v27 =	vld [tilespmem:s17+$0x60]  }
0xb3: {  	v20 =	vadd.f32 v24, v20;
	[tilespmem:s3+$0xFFFFFF80] =	vst v16;
	v16 =	vmul.f32 v9, v6;
	v24 =	vld [tilespmem:s17+$0xFFFFFF40]  }
0xb4: {  	v9 =	vperm.xlane v15, v21;
	v28 =	vld [tilespmem:s18+$0xFFFFFF90];
	[tilespmem:s3+$0x0] =	vst v22;
	v14 =	vadd.f32 v14, v23;
	v15 =	vmul.f32 v19, v5  }
0xb5: {  	[tilespmem:s3+$0xFFFFFF00] =	vst v20;
	v19 =	vld [tilespmem:s18+$0x10]  }
0xb6: {  	v21 =	vmul.f32 v25, v8;
	v20 =	vld [tilespmem:s16+$0xFFFFFF90];
	v18 =	vmul.f32 v18, v9;
	[tilespmem:s31+$0xFFFFFFD0] =	vst v14  }
0xb7: {  	v14 =	vld [tilespmem:s0+$0xFFFFFFE0];
	v22 =	vmul.f32 v27, v4  }
0xb8: {  	v23 =	vld [tilespmem:s16+$0x10];
	v18 =	vadd.f32 v18, v21;
	v21 =	vmul.f32 v24, v7  }
0xb9: {  	v24 =	vld [tilespmem:s18+$0xFFFFFF10];
	v25 =	vmul.f32 v28, v13;
	v15 =	vadd.f32 v22, v15  }
0xba: {  	v22 =	vld [tilespmem:s16+$0xFFFFFF10];
	v19 =	vmul.f32 v19, v17;
	[tilespmem:s3+$0x80] =	vst v18;
	v16 =	vadd.f32 v21, v16  }
0xbb: {  	v18 =	vmul.f32 v20, v10;
	v20 =	vld [tilespmem:s18+$0x90];
	[tilespmem:s31+$0x60] =	vst v15  }
0xbc: {  	v15 =	vld [tilespmem:s16+$0x90];
	[tilespmem:s31+$0xFFFFFF40] =	vst v16;
	v14 =	vmul.f32 v14, v2  }
0xbd: {  	v16 =	vadd.f32 v18, v25;
	v18 =	vmul.f32 v23, v26;
	v21 =	vld [tilespmem:s0+$0x70]  }
0xbe: {  	v23 =	vmul.f32 v24, v12;
	v24 =	vld [tilespmem:s17+$0x70]  }
0xbf: {  	v22 =	vmul.f32 v22, v11;
	[tilespmem:s3+$0xFFFFFF90] =	vst v16;
	v16 =	vadd.f32 v18, v19;
	v18 =	vld [tilespmem:s17+$0xFFFFFFE0]  }
0xc0: {  	v19 =	vmul.f32 v20, v8;
	v20 =	vld [tilespmem:s0+$0xFFFFFF50]  }
0xc1: {  	v22 =	vadd.f32 v22, v23;
	v15 =	vmul.f32 v15, v9;
	v23 =	vld [tilespmem:s17+$0xFFFFFF50]  }
0xc2: {  	v25 =	vld [tilespmem:s18+$0xFFFFFFA0];
	[tilespmem:s3+$0x10] =	vst v16;
	v16 =	vmul.f32 v21, v5;
	v5 =	vmov v17  }
0xc3: {  	[tilespmem:s3+$0xFFFFFF10] =	vst v22;
	v17 =	vld [tilespmem:s18+$0x20];
	v15 =	vadd.f32 v15, v19;
	v19 =	vmul.f32 v24, v4;
	v4 =	vmov v26  }
0xc4: {  	v21 =	vld [tilespmem:s16+$0x20];
	v18 =	vmul.f32 v18, v3  }
0xc5: {  	v22 =	vld [tilespmem:s18+$0xFFFFFF20];
	[tilespmem:s3+$0x90] =	vst v15;
	v15 =	vmul.f32 v20, v6;
	v16 =	vadd.f32 v19, v16  }
0xc6: {  	v19 =	vld [tilespmem:s18+$0xA0];
	v20 =	vmul.f32 v23, v7;
	v14 =	vadd.f32 v18, v14  }
0xc7: {  	v18 =	vmul.f32 v25, v13;
	v23 =	vld [tilespmem:s16+$0xA0];
	[tilespmem:s31+$0x70] =	vst v16  }
0xc8: {  	v16 =	vmul.f32 v17, v5;
	v15 =	vadd.f32 v20, v15;
	[tilespmem:s31+$0xFFFFFFE0] =	vst v14;
	v14 =	vld [tilespmem:s0+$0xD0]  }
0xc9: {  	v17 =	vmul.f32 v21, v4;
	v20 =	vld [tilespmem:s17+$0xD0]  }
0xca: {  	v21 =	vmul.f32 v22, v12;
	v22 =	vld [tilespmem:s16+$0xFFFFFFA0];
	[tilespmem:s31+$0xFFFFFF50] =	vst v15  }
0xcb: {  	v15 =	vadd.f32 v17, v16;
	v16 =	vmul.f32 v19, v8;
	v17 =	vld [tilespmem:s17+$0xFFFFFF60]  }
0xcc: {  	v19 =	vmul.f32 v23, v9;
	v23 =	vld [tilespmem:s0+$0xFFFFFFF0]  }
0xcd: {  	[tilespmem:s3+$0x20] =	vst v15;
	v15 =	vld [tilespmem:s0+$0xFFFFFF60];
	v14 =	vmul.f32 v14, v0  }
0xce: {  	v24 =	vld [tilespmem:s18+$0x30];
	v16 =	vadd.f32 v19, v16;
	v19 =	vmul.f32 v20, v1  }
0xcf: {  	v20 =	vmul.f32 v22, v10;
	v22 =	vld [tilespmem:s16+$0x30]  }
0xd0: {  	v25 =	vld [tilespmem:s16+$0xFFFFFF20];
	[tilespmem:s3+$0xA0] =	vst v16;
	v16 =	vmul.f32 v17, v7;
	v14 =	vadd.f32 v19, v14  }
0xd1: {  	v17 =	vadd.f32 v20, v18;
	v18 =	vld [tilespmem:s16+$0xB0];
	v19 =	vmul.f32 v23, v2;
	v2 =	vmov v13  }
0xd2: {  	v13 =	vld [tilespmem:s18+$0xB0];
	v15 =	vmul.f32 v15, v6;
	[tilespmem:s31+$0xD0] =	vst v14  }
0xd3: {  	[tilespmem:s3+$0xFFFFFFA0] =	vst v17;
	v14 =	vmul.f32 v24, v5;
	v17 =	vld [tilespmem:s0+$0xE0]  }
0xd4: {  	v20 =	vld [tilespmem:s16+$0xFFFFFFB0];
	v22 =	vmul.f32 v22, v4;
	v15 =	vadd.f32 v16, v15  }
0xd5: {  	v16 =	vld [tilespmem:s18+$0xFFFFFFB0]  }
0xd6: {  	v14 =	vadd.f32 v22, v14;
	[tilespmem:s31+$0xFFFFFF60] =	vst v15;
	v15 =	vld [tilespmem:s17+$0xE0]  }
0xd7: {  	v18 =	vmul.f32 v18, v9;
	v13 =	vmul.f32 v13, v8;
	v22 =	vld [tilespmem:s0+$0xFFFFFF70]  }
0xd8: {  	v23 =	vmul.f32 v25, v11;
	[tilespmem:s3+$0x30] =	vst v14;
	v14 =	vld [tilespmem:s17+$0xFFFFFF70];
	v17 =	vmul.f32 v17, v0  }
0xd9: {  	v24 =	vld [tilespmem:s18+$0x40];
	v13 =	vadd.f32 v18, v13  }
0xda: {  	v18 =	vadd.f32 v23, v21;
	v20 =	vmul.f32 v20, v10;
	v16 =	vmul.f32 v16, v2;
	v21 =	vld [tilespmem:s16+$0x40]  }
0xdb: {  	[tilespmem:s3+$0xB0] =	vst v13;
	v13 =	vld [tilespmem:s17+$0xFFFFFFF0];
	v15 =	vmul.f32 v15, v1  }
0xdc: {  	[tilespmem:s3+$0xFFFFFF20] =	vst v18;
	v16 =	vadd.f32 v20, v16;
	v18 =	vld [tilespmem:s18+$0xC0];
	v20 =	vmul.f32 v22, v6;
	v6 =	vmov v12  }
0xdd: {  	v22 =	vld [tilespmem:s18+$0xFFFFFF30];
	v12 =	vmul.f32 v14, v7;
	v15 =	vadd.f32 v15, v17;
	v7 =	vmov v11  }
0xde: {  	[tilespmem:s3+$0xFFFFFFB0] =	vst v16;
	v16 =	vmul.f32 v24, v5;
	v17 =	vld [tilespmem:s16+$0xC0]  }
.Ltmp0:
0xdf: {  	v14 =	vld [tilespmem:s16+$0xFFFFFF30];
	v21 =	vmul.f32 v21, v4;
	v12 =	vadd.f32 v12, v20;
	[tilespmem:s31+$0xE0] =	vst v15;
	(pc) =	sbr.rel @p0 .LBB2_2-.Ltmp0, $4  }
0xe0: {  	v15 =	vmul.f32 v13, v3;
	v11 =	vld [tilespmem:s0+$0xF0];
	v3 =	vmov v10;
	s0 =	smov.u32 s18  }
0xe1: {  	v20 =	vadd.f32 v21, v16;
	v13 =	vmul.f32 v18, v8;
	[tilespmem:s31+$0xFFFFFF70] =	vst v12;
	v12 =	vld [tilespmem:s17+$0xF0];
	s17 =	smov.u32 s16  }
0xe2: {  	v18 =	vmul.f32 v22, v6;
	v16 =	vld [tilespmem:s18+$0xFFFFFFC0];
	v10 =	vadd.f32 v15, v19  }
0xe3: {  	s18 =	sadd.s32 $0x200, s18;
	v15 =	vld [tilespmem:s16+$0xFFFFFFC0];
	[tilespmem:s3+$0x40] =	vst v20;
	v17 =	vmul.f32 v17, v9  }
0xe4: {  	v14 =	vmul.f32 v14, v7;
	_ =	sdelay $0x1  }
0xe5: {  	v14 =	vadd.f32 v14, v18;
	_ =	sdelay $0x1  }
0xe6: {  	[tilespmem:s3+$0xFFFFFF30] =	vst v14  }
0xe7: {  	v14 =	vld [tilespmem:s0+$0xFFFFFF40]  }
0xe8: {  	v18 =	vld [tilespmem:s17+$0xFFFFFF40];
	_ =	sdelay $0x2  }
0xe9: {  	v16 =	vmul.f32 v16, v2;
	v15 =	vmul.f32 v15, v3;
	_ =	sdelay $0x1  }
0xea: {  	v19 =	vld [tilespmem:s17+$0x50];
	v15 =	vadd.f32 v15, v16;
	v14 =	vmul.f32 v14, v6;
	v16 =	vmul.f32 v18, v7  }
0xeb: {  	v18 =	vld [tilespmem:s0+$0x50]  }
0xec: {  	[tilespmem:s3+$0xFFFFFFC0] =	vst v15;
	v14 =	vadd.f32 v16, v14  }
0xed: {  	v15 =	vld [tilespmem:s17+$0xFFFFFFD0]  }
0xee: {  	v13 =	vadd.f32 v17, v13;
	v16 =	vld [tilespmem:s0+$0xFFFFFFD0];
	[tilespmem:s3+$0xFFFFFF40] =	vst v14  }
0xef: {  	v14 =	vld [tilespmem:s0+$0xFFFFFF50]  }
0xf0: {  	[tilespmem:s3+$0xC0] =	vst v13;
	v13 =	vmul.f32 v19, v4;
	v17 =	vld [tilespmem:s17+$0xFFFFFF50];
	v18 =	vmul.f32 v18, v5  }
0xf1: {  	v19 =	vld [tilespmem:s0+$0xD0]  }
0xf2: {  	v13 =	vadd.f32 v13, v18;
	v18 =	vld [tilespmem:s17+$0xD0]  }
0xf3: {  	v15 =	vmul.f32 v15, v3;
	v16 =	vmul.f32 v16, v2;
	_ =	sdelay $0x1  }
0xf4: {  	[tilespmem:s3+$0x50] =	vst v13;
	v13 =	vadd.f32 v15, v16;
	v14 =	vmul.f32 v14, v6;
	v15 =	vmul.f32 v17, v7  }
0xf5: {  	v16 =	vld [tilespmem:s0+$0x60]  }
0xf6: {  	v17 =	vld [tilespmem:s17+$0x60];
	[tilespmem:s3+$0xFFFFFFD0] =	vst v13;
	v13 =	vadd.f32 v15, v14;
	v15 =	vmul.f32 v19, v8;
	v18 =	vmul.f32 v18, v9  }
0xf7: {  	v14 =	vld [tilespmem:s0+$0xFFFFFFE0]  }
0xf8: {  	v19 =	vld [tilespmem:s17+$0xFFFFFFE0];
	[tilespmem:s3+$0xFFFFFF50] =	vst v13;
	v15 =	vadd.f32 v18, v15  }
0xf9: {  	v13 =	vld [tilespmem:s17+$0xFFFFFF60]  }
0xfa: {  	v18 =	vld [tilespmem:s0+$0xFFFFFF60];
	[tilespmem:s3+$0xD0] =	vst v15  }
0xfb: {  	v15 =	vmul.f32 v16, v5;
	v16 =	vmul.f32 v17, v4;
	v17 =	vld [tilespmem:s0+$0xE0]  }
0xfc: {  	v20 =	vld [tilespmem:s17+$0xE0]  }
0xfd: {  	v14 =	vmul.f32 v14, v2;
	v15 =	vadd.f32 v16, v15;
	v16 =	vmul.f32 v19, v3;
	_ =	sdelay $0x1  }
0xfe: {  	v13 =	vmul.f32 v13, v7;
	v18 =	vmul.f32 v18, v6;
	[tilespmem:s3+$0x60] =	vst v15;
	v14 =	vadd.f32 v16, v14  }
0xff: {  	v15 =	vld [tilespmem:s0+$0x70]  }
0x100: {  	v16 =	vld [tilespmem:s17+$0x70];
	v13 =	vadd.f32 v13, v18;
	[tilespmem:s3+$0xFFFFFFE0] =	vst v14;
	v14 =	vmul.f32 v17, v8;
	v17 =	vmul.f32 v20, v9  }
0x101: {  	v18 =	vld [tilespmem:s0+$0xFFFFFFF0]  }
0x102: {  	v19 =	vld [tilespmem:s17+$0xFFFFFFF0];
	[tilespmem:s3+$0xFFFFFF60] =	vst v13;
	v14 =	vadd.f32 v17, v14  }
0x103: {  	v13 =	vld [tilespmem:s0+$0xFFFFFF70]  }
0x104: {  	v17 =	vld [tilespmem:s17+$0xFFFFFF70];
	[tilespmem:s3+$0xE0] =	vst v14  }
0x105: {  	v14 =	vld [tilespmem:s0+$0xF0]  }
0x106: {  	v20 =	vld [tilespmem:s17+$0xF0]  }
0x107: {  	v0 =	vmul.f32 v11, v0;
	v1 =	vmul.f32 v12, v1  }
0x108: {  	v5 =	vmul.f32 v15, v5;
	v4 =	vmul.f32 v16, v4  }
0x109: {  	v0 =	vadd.f32 v1, v0;
	v1 =	vmul.f32 v13, v6;
	v6 =	vmul.f32 v17, v7  }
0x10a: {  	[tilespmem:s31+$0xFFFFFFF0] =	vst v10;
	v4 =	vadd.f32 v4, v5;
	v2 =	vmul.f32 v18, v2;
	v3 =	vmul.f32 v19, v3  }
0x10b: {  	[tilespmem:s31+$0xF0] =	vst v0;
	v0 =	vadd.f32 v6, v1;
	v1 =	vmul.f32 v14, v8;
	v5 =	vmul.f32 v20, v9  }
0x10c: {  	[tilespmem:s3+$0x70] =	vst v4;
	v2 =	vadd.f32 v3, v2  }
0x10d: {  	[tilespmem:s3+$0xFFFFFF70] =	vst v0;
	v0 =	vadd.f32 v5, v1  }
0x10e: {  	[tilespmem:s3+$0xFFFFFFF0] =	vst v2  }
0x10f: {  	s19 =	simm.s32 $0x0;
	s20 =	simm.s32 $0x10400;
	[tilespmem:s3+$0xF0] =	vst v0  }
0x110: {  	[hbm4b:s9+s19] =	stream.linear.scatter [tilespmem:s20], [sflag:$0x5], $0x4000, $0x38;
	[tilespmem:$0x18400] =	vst v63  }
0x111: {  	_ =	swait.ge [sflag:s25], $0x4000  }
0x112: {  	[sflag:s25] =	ssyncset.done $0x0  }
0x113: {  	[sflag:s25] =	ssyncadd.s32 $0xFFFFC000  }
0x114: {  	_ =	swait.ge [sflag:s26], $0x4000  }
0x115: {  	[sflag:s26] =	ssyncset.done $0x0  }
0x116: {  	s0 =	simm.s32 $0x0;
	[sflag:s26] =	ssyncadd.s32 $0xFFFFC000  }
0x117: {  	v10 =	vld [tilespmem:s0+$0xC5F0]  }
0x118: {  	v0 =	vld [tilespmem:s0+$0x45F0]  }
0x119: {  	v8 =	vld [tilespmem:s0+$0xC5E0]  }
0x11a: {  	v3 =	vld [tilespmem:s0+$0x45E0]  }
0x11b: {  	v9 =	vld [tilespmem:s0+$0xC5D0]  }
0x11c: {  	v6 =	vld [tilespmem:s0+$0xC470]  }
0x11d: {  	v11 =	vld [tilespmem:s0+$0x45D0]  }
0x11e: {  	v7 =	vld [tilespmem:s0+$0x4470]  }
0x11f: {  	v1 =	vld [tilespmem:s0+$0xC5C0]  }
0x120: {  	v2 =	vld [tilespmem:s0+$0x45C0]  }
0x121: {  	v12 =	vld [tilespmem:s0+$0x44A0]  }
0x122: {  	v13 =	vld [tilespmem:s0+$0xC490]  }
0x123: {  	v14 =	vld [tilespmem:s0+$0x4490]  }
0x124: {  	v15 =	vld [tilespmem:s0+$0xC440]  }
0x125: {  	v16 =	vld [tilespmem:s0+$0xC480]  }
0x126: {  	v17 =	vld [tilespmem:s0+$0x4480]  }
0x127: {  	v18 =	vld [tilespmem:s0+$0x4430]  }
0x128: {  	v19 =	vld [tilespmem:s0+$0x4410]  }
0x129: {  	s3 =	simm.s32 $0x80;
	v20 =	vld [tilespmem:s0+$0xC400]  }
0x12a: {  	s15 =	sand.u32 $0xF0, s3;
	v21 =	vld [tilespmem:s0+$0x4400]  }
0x12b: {  	v22 =	vld [tilespmem:s15+$0x300]  }
0x12c: {  	v23 =	vld [tilespmem:s15+$0x200]  }
0x12d: {  	v24 =	vld [tilespmem:s0+$0xC5B0]  }
0x12e: {  	v25 =	vld [tilespmem:s0+$0xC4A0]  }
0x12f: {  	v26 =	vld [tilespmem:s0+$0x44B0]  }
0x130: {  	v27 =	vld [tilespmem:s0+$0xC4B0]  }
0x131: {  	v28 =	vld [tilespmem:s0+$0x44C0]  }
0x132: {  	v29 =	vld [tilespmem:s0+$0x44D0]  }
0x133: {  	v30 =	vld [tilespmem:s0+$0xC4D0]  }
0x134: {  	v31 =	vld [tilespmem:s0+$0xC4E0]  }
0x135: {  	v32 =	vld [tilespmem:s0+$0x44F0]  }
0x136: {  	s21 =	simm.s32 $0x82;
	v33 =	vld [tilespmem:s0+$0x4500]  }
0x137: {  	v34 =	vld [tilespmem:s0+$0xC500];
	s15 =	sand.u32 $0xE, s21  }
0x138: {  	s16 =	sand.u32 $0xC, s3;
	v35 =	vld [tilespmem:s0+$0x4510];
	v4 =	vmov s15  }
0x139: {  	v37 =	vmov s16;
	v36 =	vld [tilespmem:s0+$0xC510];
	v38 =	vperm.xlane v23, v4  }
0x13a: {  	v40 =	vld [tilespmem:s0+$0x4520];
	v39 =	vperm.xlane v22, v4;
	v5 =	vperm.xlane v23, v37  }
0x13b: {  	v62 =	vld [tilespmem:s0+$0xC520];
	v4 =	vperm.xlane v22, v37;
	v33 =	vmul.f32 v33, v38  }
0x13c: {  	v41 =	vld [tilespmem:s0+$0x4530];
	v34 =	vmul.f32 v34, v39;
	v21 =	vmul.f32 v21, v5  }
0x13d: {  	v54 =	vld [tilespmem:s0+$0x4550];
	v42 =	vmul.f32 v7, v5;
	v44 =	vmul.f32 v18, v5  }
0x13e: {  	s24 =	simm.s32 $0x81;
	v43 =	vld [tilespmem:s0+$0xC530];
	v18 =	vmul.f32 v6, v4;
	v51 =	vmul.f32 v35, v38  }
0x13f: {  	v45 =	vld [tilespmem:s0+$0xC4F0];
	s15 =	sand.u32 $0xD, s24;
	v52 =	vmul.f32 v36, v39;
	v20 =	vmul.f32 v20, v4  }
0x140: {  	v63 =	vld [tilespmem:s0+$0x4540];
	v7 =	vmul.f32 v15, v4;
	v15 =	vmov s15;
	v40 =	vmul.f32 v40, v38  }
0x141: {  	s31 =	simm.s32 $0x83;
	v53 =	vld [tilespmem:s0+$0xC540];
	v46 =	vperm.xlane v23, v15;
	v15 =	vperm.xlane v22, v15  }
0x142: {  	v47 =	vld [tilespmem:s0+$0xC550];
	v37 =	vmul.f32 v62, v39;
	v60 =	vmul.f32 v54, v38;
	s15 =	sand.u32 $0xF, s31  }
0x143: {  	v48 =	vld [tilespmem:s0+$0xC4C0];
	v61 =	vmov s15;
	v30 =	vmul.f32 v30, v15;
	v32 =	vmul.f32 v32, v46  }
0x144: {  	v55 =	vld [tilespmem:s0+$0x4560];
	v6 =	vadd.f32 v34, v33;
	v17 =	vmul.f32 v17, v46;
	v57 =	vmul.f32 v45, v15  }
0x145: {  	v56 =	vld [tilespmem:s0+$0xC560];
	v34 =	vadd.f32 v52, v51;
	v16 =	vmul.f32 v16, v15;
	v14 =	vmul.f32 v14, v46  }
0x146: {  	v58 =	vld [tilespmem:s0+$0x4580];
	v18 =	vadd.f32 v18, v42;
	v13 =	vmul.f32 v13, v15;
	v12 =	vmul.f32 v12, v46;
	[tilespmem:s0+$0x14500] =	vst v6  }
0x147: {  	v59 =	vld [tilespmem:s0+$0x4590];
	v20 =	vadd.f32 v20, v21;
	v25 =	vmul.f32 v25, v15;
	v6 =	vmul.f32 v19, v5;
	[tilespmem:s0+$0x14510] =	vst v34  }
0x148: {  	v62 =	vld [tilespmem:s0+$0xC5A0];
	v19 =	vmul.f32 v29, v46;
	v29 =	vmul.f32 v31, v15;
	v31 =	vadd.f32 v37, v40;
	[tilespmem:s0+$0x14470] =	vst v18  }
0x149: {  	v21 =	vld [tilespmem:s0+$0x4570];
	v26 =	vmul.f32 v26, v46;
	v27 =	vmul.f32 v27, v15;
	[tilespmem:s0+$0x14400] =	vst v20;
	v16 =	vadd.f32 v16, v17  }
0x14a: {  	v20 =	vmul.f32 v41, v38;
	v17 =	vmul.f32 v28, v46;
	v28 =	vld [tilespmem:s0+$0xC580];
	v13 =	vadd.f32 v13, v14;
	[tilespmem:s0+$0x14520] =	vst v31  }
0x14b: {  	v34 =	vmul.f32 v55, v38;
	v14 =	vmul.f32 v43, v39;
	v12 =	vadd.f32 v25, v12;
	v31 =	vld [tilespmem:s0+$0x44E0];
	[tilespmem:s0+$0x14480] =	vst v16  }
0x14c: {  	v37 =	vmul.f32 v56, v39;
	v25 =	vmul.f32 v63, v38;
	v63 =	vld [tilespmem:s0+$0xC430];
	v19 =	vadd.f32 v30, v19;
	[tilespmem:s0+$0x14490] =	vst v13  }
0x14d: {  	v26 =	vadd.f32 v27, v26;
	v27 =	vmul.f32 v53, v39;
	v30 =	vld [tilespmem:s0+$0xC570];
	[tilespmem:s0+$0x144A0] =	vst v12;
	v12 =	vadd.f32 v14, v20  }
0x14e: {  	v18 =	vadd.f32 v57, v32;
	v16 =	vld [tilespmem:s0+$0x45A0];
	v13 =	vmul.f32 v47, v39;
	[tilespmem:s0+$0x144D0] =	vst v19;
	v19 =	vmul.f32 v48, v15  }
0x14f: {  	v38 =	vmul.f32 v21, v38;
	v15 =	vperm.xlane v22, v61;
	v22 =	vld [tilespmem:s0+$0x45B0];
	[tilespmem:s0+$0x14530] =	vst v12;
	v12 =	vadd.f32 v27, v25  }
0x150: {  	[tilespmem:s0+$0x144F0] =	vst v18;
	v14 =	vadd.f32 v19, v17;
	v17 =	vperm.xlane v23, v61;
	v18 =	vmul.f32 v31, v46;
	v31 =	vld [tilespmem:s0+$0xC590]  }
0x151: {  	[tilespmem:s0+$0x144B0] =	vst v26;
	v27 =	vld [tilespmem:s0+$0x4440];
	v19 =	vmul.f32 v28, v15;
	v28 =	vmul.f32 v24, v15  }
0x152: {  	v23 =	vld [tilespmem:s0+$0x4420];
	v30 =	vmul.f32 v30, v39;
	[tilespmem:s0+$0x14540] =	vst v12;
	v12 =	vadd.f32 v13, v60;
	v13 =	vmul.f32 v62, v15  }
0x153: {  	v24 =	vld [tilespmem:s0+$0xC420];
	[tilespmem:s0+$0x144C0] =	vst v14;
	v20 =	vmul.f32 v58, v17;
	v26 =	vmul.f32 v11, v17;
	v18 =	vadd.f32 v29, v18  }
0x154: {  	v21 =	vld [tilespmem:s0+$0x4450];
	v11 =	vmul.f32 v10, v15;
	[tilespmem:s0+$0x14550] =	vst v12;
	v12 =	vadd.f32 v30, v38;
	v30 =	vmul.f32 v63, v4  }
0x155: {  	[tilespmem:s0+$0x144E0] =	vst v18;
	v18 =	vadd.f32 v37, v34;
	v14 =	vmul.f32 v31, v15;
	v31 =	vmul.f32 v22, v17;
	v22 =	vld [tilespmem:s0+$0xC450]  }
0x156: {  	v25 =	vld [tilespmem:s0+$0xC410];
	v10 =	vmul.f32 v8, v15;
	v29 =	vmul.f32 v27, v5;
	[tilespmem:s0+$0x14570] =	vst v12;
	v27 =	vadd.f32 v30, v44  }
0x157: {  	s15 =	simm.s32 $0x800;
	v12 =	vld [tilespmem:s0+$0x4460];
	v30 =	vmul.f32 v9, v15;
	[tilespmem:s0+$0x14560] =	vst v18;
	v18 =	vmul.f32 v59, v17;
	v28 =	vadd.f32 v28, v31  }
.LBB2_4:
0x158: {  	s31 =	sshra.s32 s15, $0x2;
	v9 =	vmul.f32 v23, v5;
	v23 =	vmul.f32 v24, v4;
	v7 =	vadd.f32 v7, v29;
	v24 =	vld [tilespmem:s0+$0xC460];
	s16 =	smov.u32 s3;
	s3 =	sadd.s32 $0x4, s3  }
0x159: {  	v3 =	vmul.f32 v3, v17;
	s17 =	sand.u32 $0xC, s3;
	s18 =	sand.u32 $0xF0, s3;
	v8 =	vld [tilespmem:s31+$0xC5F0];
	p0 =	slt.u32 s3, $0xFC;
	v21 =	vmul.f32 v21, v5;
	[tilespmem:s0+$0x145B0] =	vst v28;
	v26 =	vadd.f32 v30, v26  }
0x15a: {  	v23 =	vadd.f32 v23, v9;
	[tilespmem:s0+$0x14430] =	vst v27;
	v22 =	vmul.f32 v22, v4;
	v27 =	vmul.f32 v0, v17;
	v0 =	vld [tilespmem:s31+$0x45F0]  }
0x15b: {  	v19 =	vadd.f32 v19, v20;
	v20 =	vadd.f32 v10, v3;
	v9 =	vld [tilespmem:s31+$0xC5E0];
	v25 =	vmul.f32 v25, v4;
	[tilespmem:s0+$0x145D0] =	vst v26  }
0x15c: {  	v3 =	vld [tilespmem:s31+$0x45E0];
	[tilespmem:s0+$0x14440] =	vst v7;
	v7 =	vadd.f32 v22, v21;
	v5 =	vmul.f32 v12, v5;
	v12 =	vadd.f32 v11, v27  }
0x15d: {  	v2 =	vmul.f32 v2, v17;
	v10 =	vld [tilespmem:s31+$0xC5D0];
	v6 =	vadd.f32 v25, v6;
	v4 =	vmul.f32 v24, v4;
	[tilespmem:s0+$0x145E0] =	vst v20  }
0x15e: {  	v16 =	vmul.f32 v16, v17;
	v15 =	vmul.f32 v1, v15;
	v20 =	vld [tilespmem:s31+$0xC470];
	[tilespmem:s0+$0x14580] =	vst v19  }
0x15f: {  	v11 =	vld [tilespmem:s31+$0x45D0];
	[tilespmem:s0+$0x14420] =	vst v23;
	v4 =	vadd.f32 v4, v5  }
0x160: {  	v5 =	vadd.f32 v13, v16;
	v17 =	vld [tilespmem:s31+$0x4470];
	[tilespmem:s0+$0x14410] =	vst v6  }
0x161: {  	v6 =	vadd.f32 v15, v2;
	v1 =	vld [tilespmem:s31+$0xC5C0];
	[tilespmem:s0+$0x145F0] =	vst v12  }
0x162: {  	v12 =	vadd.f32 v14, v18;
	v2 =	vld [tilespmem:s31+$0x45C0];
	[tilespmem:s0+$0x145A0] =	vst v5  }
0x163: {  	v16 =	vld [tilespmem:s31+$0x44A0];
	[tilespmem:s0+$0x14450] =	vst v7  }
0x164: {  	v18 =	vld [tilespmem:s31+$0xC490];
	[tilespmem:s0+$0x14460] =	vst v4  }
0x165: {  	v19 =	vld [tilespmem:s31+$0x4490];
	[tilespmem:s0+$0x14590] =	vst v12  }
0x166: {  	v7 =	vld [tilespmem:s31+$0xC440];
	[tilespmem:s0+$0x145C0] =	vst v6;
	s0 =	smov.u32 s31  }
0x167: {  	v21 =	vld [tilespmem:s0+$0xC480]  }
0x168: {  	v22 =	vld [tilespmem:s0+$0x4480]  }
0x169: {  	v6 =	vld [tilespmem:s0+$0x4430]  }
0x16a: {  	v23 =	vld [tilespmem:s0+$0x4410]  }
0x16b: {  	v24 =	vld [tilespmem:s0+$0xC400]  }
0x16c: {  	v12 =	vld [tilespmem:s0+$0x4400]  }
0x16d: {  	v15 =	vld [tilespmem:s18+$0x300]  }
0x16e: {  	v14 =	vld [tilespmem:s18+$0x200]  }
0x16f: {  	v13 =	vld [tilespmem:s0+$0xC5B0]  }
0x170: {  	v25 =	vld [tilespmem:s0+$0xC4A0]  }
0x171: {  	v26 =	vld [tilespmem:s0+$0x44B0]  }
0x172: {  	v4 =	vmov s17;
	v27 =	vld [tilespmem:s0+$0xC4B0]  }
0x173: {  	v5 =	vperm.xlane v14, v4;
	v28 =	vld [tilespmem:s0+$0x44C0]  }
0x174: {  	v4 =	vperm.xlane v15, v4;
	v29 =	vld [tilespmem:s0+$0xC4C0]  }
0x175: {  	v30 =	vmul.f32 v12, v5;
	v17 =	vmul.f32 v17, v5;
	v31 =	vld [tilespmem:s0+$0x44D0]  }
0x176: {  	v12 =	vmul.f32 v6, v5;
	v20 =	vmul.f32 v20, v4;
	v32 =	vld [tilespmem:s0+$0xC4D0]  }
0x177: {  	v24 =	vmul.f32 v24, v4;
	v7 =	vmul.f32 v7, v4;
	v33 =	vld [tilespmem:s0+$0x44E0]  }
0x178: {  	s17 =	sadd.s32 $0x5, s16;
	v6 =	vmul.f32 v23, v5;
	v17 =	vadd.f32 v20, v17;
	v20 =	vld [tilespmem:s0+$0xC4E0]  }
0x179: {  	s17 =	sand.u32 $0xD, s17;
	s18 =	sadd.s32 $0x6, s16;
	v23 =	vadd.f32 v24, v30;
	v24 =	vld [tilespmem:s0+$0x44F0]  }
0x17a: {  	[tilespmem:s0+$0x14470] =	vst v17;
	v17 =	vmov s17;
	v30 =	vld [tilespmem:s0+$0xC4F0];
	s17 =	sand.u32 $0xE, s18  }
0x17b: {  	[tilespmem:s0+$0x14400] =	vst v23;
	v23 =	vperm.xlane v14, v17;
	v17 =	vperm.xlane v15, v17;
	v34 =	vmov s17;
	v35 =	vld [tilespmem:s0+$0x4500]  }
0x17c: {  	v36 =	vperm.xlane v14, v34;
	v34 =	vperm.xlane v15, v34;
	v37 =	vld [tilespmem:s0+$0xC500]  }
0x17d: {  	v31 =	vmul.f32 v31, v23;
	v20 =	vmul.f32 v20, v17;
	v38 =	vld [tilespmem:s0+$0x4510]  }
0x17e: {  	v32 =	vmul.f32 v32, v17;
	v24 =	vmul.f32 v24, v23;
	v39 =	vld [tilespmem:s0+$0xC510]  }
0x17f: {  	v22 =	vmul.f32 v22, v23;
	v30 =	vmul.f32 v30, v17;
	v40 =	vld [tilespmem:s0+$0x4520]  }
0x180: {  	v21 =	vmul.f32 v21, v17;
	v19 =	vmul.f32 v19, v23;
	v31 =	vadd.f32 v32, v31;
	v32 =	vld [tilespmem:s0+$0xC520]  }
0x181: {  	v24 =	vadd.f32 v30, v24;
	v30 =	vmul.f32 v35, v36;
	v35 =	vmul.f32 v37, v34;
	v37 =	vld [tilespmem:s0+$0x4530]  }
0x182: {  	v18 =	vmul.f32 v18, v17;
	v16 =	vmul.f32 v16, v23;
	v21 =	vadd.f32 v21, v22;
	[tilespmem:s0+$0x144D0] =	vst v31;
	v22 =	vld [tilespmem:s0+$0xC530]  }
0x183: {  	[tilespmem:s0+$0x144F0] =	vst v24;
	v24 =	vadd.f32 v35, v30;
	v30 =	vmul.f32 v38, v36;
	v31 =	vmul.f32 v39, v34;
	v35 =	vld [tilespmem:s0+$0x4540]  }
0x184: {  	v18 =	vadd.f32 v18, v19;
	v19 =	vmul.f32 v25, v17;
	[tilespmem:s0+$0x14480] =	vst v21;
	v21 =	vmul.f32 v26, v23;
	v25 =	vld [tilespmem:s0+$0xC540]  }
0x185: {  	v26 =	vmul.f32 v40, v36;
	[tilespmem:s0+$0x14500] =	vst v24;
	v24 =	vadd.f32 v31, v30;
	v30 =	vmul.f32 v32, v34;
	v31 =	vld [tilespmem:s0+$0x4550]  }
0x186: {  	v16 =	vadd.f32 v19, v16;
	v19 =	vmul.f32 v28, v23;
	[tilespmem:s0+$0x14490] =	vst v18;
	v18 =	vmul.f32 v27, v17;
	v27 =	vld [tilespmem:s0+$0xC550]  }
0x187: {  	[tilespmem:s0+$0x14510] =	vst v24;
	v24 =	vadd.f32 v30, v26;
	v26 =	vmul.f32 v37, v36;
	v22 =	vmul.f32 v22, v34;
	v28 =	vld [tilespmem:s0+$0x4560]  }
0x188: {  	v17 =	vmul.f32 v29, v17;
	[tilespmem:s0+$0x144A0] =	vst v16;
	v16 =	vadd.f32 v18, v21;
	v18 =	vmul.f32 v33, v23;
	v21 =	vld [tilespmem:s0+$0xC560]  }
0x189: {  	v23 =	vmul.f32 v35, v36;
	[tilespmem:s0+$0x14520] =	vst v24;
	v22 =	vadd.f32 v22, v26;
	v24 =	vmul.f32 v25, v34;
	v25 =	vld [tilespmem:s0+$0x4570]  }
0x18a: {  	[tilespmem:s0+$0x144B0] =	vst v16;
	v16 =	vadd.f32 v17, v19;
	v17 =	vadd.f32 v20, v18;
	v18 =	vld [tilespmem:s0+$0xC570]  }
0x18b: {  	s16 =	sadd.s32 $0x7, s16;
	v20 =	vmul.f32 v31, v36;
	[tilespmem:s0+$0x14530] =	vst v22;
	v19 =	vadd.f32 v24, v23;
	v22 =	vmul.f32 v27, v34;
	v26 =	vld [tilespmem:s0+$0x4580]  }
0x18c: {  	s16 =	sand.u32 $0xF, s16;
	[tilespmem:s0+$0x144C0] =	vst v16;
	v23 =	vld [tilespmem:s0+$0xC580]  }
0x18d: {  	[tilespmem:s0+$0x14540] =	vst v19;
	v16 =	vadd.f32 v22, v20;
	v19 =	vmul.f32 v28, v36;
	v20 =	vmul.f32 v21, v34;
	v27 =	vld [tilespmem:s0+$0x4590]  }
0x18e: {  	v21 =	vmov s16;
	[tilespmem:s0+$0x144E0] =	vst v17;
	v17 =	vmul.f32 v25, v36;
	v22 =	vld [tilespmem:s0+$0xC590]  }
0x18f: {  	[tilespmem:s0+$0x14550] =	vst v16;
	v19 =	vadd.f32 v20, v19;
	v18 =	vmul.f32 v18, v34;
	v16 =	vld [tilespmem:s0+$0x45A0]  }
0x190: {  	v25 =	vld [tilespmem:s0+$0xC5A0]  }
0x191: {  	v15 =	vperm.xlane v15, v21;
	[tilespmem:s0+$0x14560] =	vst v19;
	v17 =	vadd.f32 v18, v17;
	v18 =	vld [tilespmem:s0+$0x45B0]  }
0x192: {  	v28 =	vld [tilespmem:s0+$0xC430]  }
0x193: {  	v19 =	vmul.f32 v23, v15;
	v29 =	vld [tilespmem:s0+$0x4440];
	[tilespmem:s0+$0x14570] =	vst v17;
	v17 =	vperm.xlane v14, v21  }
0x194: {  	v30 =	vmul.f32 v13, v15;
	v14 =	vmul.f32 v22, v15;
	v23 =	vld [tilespmem:s0+$0x4420]  }
.Ltmp1:
0x195: {  	v24 =	vld [tilespmem:s0+$0xC420];
	v20 =	vmul.f32 v26, v17;
	v13 =	vmul.f32 v25, v15;
	(pc) =	sbr.rel @p0 .LBB2_4-.Ltmp1, $4  }
0x196: {  	v26 =	vmul.f32 v11, v17;
	v21 =	vld [tilespmem:s0+$0x4450];
	v31 =	vmul.f32 v18, v17  }
0x197: {  	v11 =	vmul.f32 v8, v15;
	v32 =	vmul.f32 v28, v4;
	v22 =	vld [tilespmem:s0+$0xC450]  }
0x198: {  	v18 =	vmul.f32 v27, v17;
	v25 =	vld [tilespmem:s0+$0xC410];
	v29 =	vmul.f32 v29, v5;
	v28 =	vadd.f32 v30, v31  }
0x199: {  	s15 =	sadd.s32 $0x800, s15;
	v30 =	vmul.f32 v10, v15;
	v10 =	vmul.f32 v9, v15;
	v27 =	vadd.f32 v32, v12;
	v12 =	vld [tilespmem:s0+$0x4460]  }
0x19a: {  	[tilespmem:s0+$0x145B0] =	vst v28;
	v7 =	vadd.f32 v7, v29  }
0x19b: {  	v51 =	vadd.f32 v19, v20;
	[tilespmem:s0+$0x14430] =	vst v27  }
0x19c: {  	v3 =	vmul.f32 v3, v17;
	v63 =	vadd.f32 v14, v18;
	[tilespmem:s0+$0x14440] =	vst v7  }
0x19d: {  	v23 =	vmul.f32 v23, v5;
	v24 =	vmul.f32 v24, v4;
	v9 =	vadd.f32 v30, v26;
	[tilespmem:s0+$0x14580] =	vst v51  }
0x19e: {  	v8 =	vld [tilespmem:s0+$0xC460];
	v0 =	vmul.f32 v0, v17;
	v3 =	vadd.f32 v10, v3;
	[tilespmem:s0+$0x14590] =	vst v63  }
0x19f: {  	v54 =	vmul.f32 v16, v17;
	v52 =	vadd.f32 v24, v23;
	[tilespmem:s0+$0x145D0] =	vst v9  }
0x1a0: {  	v55 =	vmul.f32 v21, v5;
	v56 =	vmul.f32 v22, v4;
	v0 =	vadd.f32 v11, v0;
	[tilespmem:s0+$0x145E0] =	vst v3  }
0x1a1: {  	v61 =	vmul.f32 v2, v17;
	v1 =	vmul.f32 v1, v15;
	v59 =	vadd.f32 v13, v54;
	[tilespmem:s0+$0x14420] =	vst v52  }
0x1a2: {  	v50 =	vmul.f32 v25, v4;
	v60 =	vadd.f32 v56, v55;
	[tilespmem:s0+$0x145F0] =	vst v0  }
0x1a3: {  	v57 =	vmul.f32 v12, v5;
	[tilespmem:s0+$0x145A0] =	vst v59;
	v0 =	vadd.f32 v1, v61;
	v58 =	vmul.f32 v8, v4  }
0x1a4: {  	v53 =	vadd.f32 v50, v6;
	[tilespmem:s0+$0x14450] =	vst v60  }
0x1a5: {  	[tilespmem:s0+$0x145C0] =	vst v0;
	v62 =	vadd.f32 v58, v57  }
0x1a6: {  	[tilespmem:s0+$0x14410] =	vst v53  }
0x1a7: {  	s30 =	sadd.s32 $0x1, s30;
	[tilespmem:s0+$0x14460] =	vst v62  }
0x1a8: {  	[hbm4b:s10+s4] =	stream.linear.scatter [tilespmem:s28], [sflag:$0x5], $0x4000, $0x38;
	[tilespmem:$0x18400] =	vst v63  }
0x1a9: {  	p0 =	sne.s32 s30, s11;
	_ =	swait.ge [sflag:s29], $0x4000  }
.Ltmp2:
0x1aa: {  	[sflag:s29] =	ssyncset.done $0x0;
	(pc) =	sbr.rel @p0 .LBB2_1-.Ltmp2, $4  }
0x1ab: {  	[sflag:s29] =	ssyncadd.s32 $0xFFFFC000  }
0x1ac: {  	_ =	swait.ge [sflag:s29], $0x4000  }
0x1ad: {  	[sflag:s29] =	ssyncset.done $0x0  }
0x1ae: {  	[sflag:s29] =	ssyncadd.s32 $0xFFFFC000  }
0x1af: {  	_ =	sfence.sel $0x180000  }
0x1b0: {  	[bflag:$0x0] =	sbarrier.arrive $0xFFFF  }
0x1b1: {  	_ =	strace $0x9000004A  }
0x1b2: {  	s0 =	stileid.u32;
	[bflag:$0x2] =	sbarrier.arrive $0xFFFF  }
0x1b3: {  	p0 =	sne.s32 s0, $0x0;
	s0 =	rddreg [dreg:$0x4]  }
0x1b4: {  	s0 =	sadd.s32 @!p0 $0x100000, s0  }
0x1b5: {  	[sflag:s0] =	ssyncadd.tile.s32 @!p0 $0x1;
	_ =	shalt  }
.Lfunc_end2:
_tile_overlayer_lowered:
.L_overlay_start_2:
0x1b6: {  	(tag) =	ssettag $0x2  }
0x1b7: {  	s0 =	rddreg [dreg:$0x0];
	s2 =	stileid.u32  }
0x1b8: {  	s1 =	rddreg [dreg:$0x1];
	p0 =	sne.s32 s2, $0x0  }
0x1b9: {  	s3 =	rddreg [dreg:$0x2];
	[bflag:$0x3] =	sbarrier.arrive $0xFFFF;
	s2 =	simm.s32 @!p0 $0x1C06  }
0x1ba: {  	[timem:s3], [sflag:s2] =	dma.local @!p0 [hbm:s0], s1  }
0x1bb: {  	s0 =	simm.s32 @!p0 $0x6  }
0x1bc: {  	_ =	swait.ge @!p0 [sflag:s0], s1  }
0x1bd: {  	s1 =	ssub.s32 @!p0 $0x0, s1;
	[sflag:s0] =	ssyncset.done @!p0 $0x0  }
0x1be: {  	[sflag:s0] =	ssyncadd.s32 @!p0 s1  }
0x1bf: {  	[bflag:$0x3] =	sbarrier.arrive $0xFFFF  }
0x1c0: {  	_ =	shalt  }

// kernel: gather_offload_async_start
scs
__scs_entry_jumppad:
0x0: {  	(pc) =	sbr.rel $0x88, $3  }
0x1: {  	(tag) =	ssettag $0x0;
	lr =	simm.s32 $0x1  }
0x2: {  	[smem:$0x3F99] =	sst lr;
	_ =	strace $0xD0000000  }
0x3: {  	_ = 	snop  }
0x4: {  	_ = 	snop  }
0x5: {  	_ = 	snop  }
0x6: {  	_ = 	snop  }
0x7: {  	_ = 	snop  }
__scs_overlays_trampoline_lowered:
0x8: {  	[smem:$0x3FA8] =	sst s0  }
0x9: {  	[smem:$0x3FA9] =	sst s1  }
0xa: {  	[smem:$0x3FAA] =	sst s2  }
0xb: {  	[smem:$0x3FAB] =	sst s3  }
0xc: {  	[smem:$0x3FAC] =	sst s4  }
0xd: {  	[smem:$0x3FAD] =	sst s5  }
0xe: {  	[smem:$0x3FAE] =	sst s6  }
0xf: {  	[smem:$0x3FAF] =	sst s7  }
0x10: {  	[smem:$0x3FB0] =	sst s8  }
0x11: {  	[smem:$0x3FB1] =	sst s9;
	s0 =	simm.s32 @!p0 $0x0  }
0x12: {  	s1 =	sld [smem:$0x3F97];
	s0 =	simm.s32 @p0 $0x1  }
0x13: {  	[smem:$0x3FB2] =	sst s0;
	s0 =	simm.s32 @!p1 $0x0  }
0x14: {  	s2 =	sld [smem:$0x3F96];
	s0 =	simm.s32 @p1 $0x1  }
0x15: {  	[smem:$0x3FB3] =	sst s0;
	s0 =	simm.s32 @!p2 $0x0  }
0x16: {  	s3 =	sld [smem:$0x3FDB];
	s0 =	simm.s32 @p2 $0x1  }
0x17: {  	s4 =	simm.s32 $0x1BF5;
	[smem:$0x3FB5] =	sst s0  }
0x18: {  	s0 =	sld [smem:$0x3F98];
	_ =	swait.ge [sflag:s4], $0x0  }
0x19: {  	s7 =	sld [smem:$0x3F99]  }
0x1a: {  	s8 =	sadd.s32 $0xFFFFE003, lr  }
0x1b: {  	s9 =	sadd.s32 $0xFFFFFEF7, lr;
	s5 =	simm.s32 $0xFFFFFFFF;
	p2 =	slt.u32 s8, $0xFFFFF086  }
0x1c: {  	p1 =	slt.u32 s9, $0xF7A;
	s5 =	simm.s32 @!p2 $0x0  }
0x1d: {  	s5 =	simm.s32 @p1 $0x1;
	p0 =	seq.s32 s7, s2  }
0x1e: {  	s7 =	smul.u32 @!p0 $0xF7A, s2;
	p2 =	seq.s32 @!p0 s5, $0x0  }
0x1f: {  	s9 =	smul.u32 $0xF7A, s1;
	s8 =	simm.s32 @!p0 $0x1BF5;
	p2 =	por !p2, p0  }
0x20: {  	[sflag:s8] =	ssyncset.s32 @!p0 $0xFFFFF086;
	s6 =	sadd.s32 @!p0 s3, s7;
	s7 =	simm.s32 @!p0 $0x108  }
0x21: {  	s3 =	sadd.s32 s3, s9;
	s6 =	sadd.s32 @!p0 $0x88, s6;
	s7 =	simm.s32 @p2 $0x1082  }
0x22: {  	[simem:s7], [sflag:s8] =	dma.local @!p0 [hbm:s6], $0xF7A  }
0x23: {  	s9 =	sor.u32 $0xD0000000, s2;
	s6 =	simm.s32 $0x108;
	_ =	swait.ge @!p0 [sflag:s8], $0x0  }
0x24: {  	s3 =	sadd.s32 $0x88, s3;
	s6 =	simm.s32 @!p1 $0x1082;
	[sflag:s4] =	ssyncset.s32 $0xFFFFF086  }
0x25: {  	[simem:s6], [sflag:s4] =	dma.local [hbm:s3], $0xF7A  }
0x26: {  	[smem:$0x3F99] =	sst s1;
	(tag) =	ssettag s2;
	_ =	strace s9  }
0x27: {  	s1 =	sld [smem:$0x3FA9]  }
0x28: {  	s2 =	sld [smem:$0x3FAA]  }
0x29: {  	s4 =	sld [smem:$0x3FAC]  }
0x2a: {  	p0 =	seq.s32 s5, $0x0;
	s5 =	sld [smem:$0x3FAD]  }
0x2b: {  	s6 =	sld [smem:$0x3FAE]  }
0x2c: {  	s7 =	sld [smem:$0x3FAF]  }
0x2d: {  	s3 =	simm.s32 $0x108;
	s8 =	sld [smem:$0x3FB0]  }
0x2e: {  	s3 =	simm.s32 @!p0 $0x1082;
	s9 =	sld [smem:$0x3FB1]  }
0x2f: {  	lr =	sadd.s32 s0, s3;
	s0 =	sld [smem:$0x3FA8]  }
0x30: {  	s3 =	sld [smem:$0x3FAB]  }
0x31: {  	[smem:$0x3FB4] =	sst s10  }
0x32: {  	s10 =	sld [smem:$0x3FB2];
	_ =	sdelay $0x3  }
0x33: {  	p0 =	seq.s32 s10, $0x1;
	s10 =	sld [smem:$0x3FB4];
	_ =	sdelay $0x3  }
0x34: {  	[smem:$0x3FB4] =	sst s10  }
0x35: {  	s10 =	sld [smem:$0x3FB3];
	_ =	sdelay $0x3  }
0x36: {  	p1 =	seq.s32 s10, $0x1;
	s10 =	sld [smem:$0x3FB4];
	_ =	sdelay $0x3  }
0x37: {  	[smem:$0x3FB4] =	sst s10  }
0x38: {  	s10 =	sld [smem:$0x3FB5]  }
0x39: {  	_ = 	snop;
	(pc) =	sbr.ind lr, $3  }
0x3a: {  	_ = 	snop  }
0x3b: {  	_ = 	snop  }
0x3c: {  	p2 =	seq.s32 s10, $0x1;
	s10 =	sld [smem:$0x3FB4]  }
0x3d: {  	_ =	shalt  }
0x3e: {  	_ =	shalt  }
0x3f: {  	_ =	shalt  }
0x40: {  	_ =	shalt  }
0x41: {  	_ =	shalt  }
0x42: {  	_ =	shalt  }
0x43: {  	_ =	shalt  }
0x44: {  	_ =	shalt  }
0x45: {  	_ =	shalt  }
0x46: {  	_ =	shalt  }
0x47: {  	_ =	shalt  }
0x48: {  	_ =	shalt  }
0x49: {  	_ =	shalt  }
0x4a: {  	_ =	shalt  }
0x4b: {  	_ =	shalt  }
0x4c: {  	_ =	shalt  }
0x4d: {  	_ =	shalt  }
0x4e: {  	_ =	shalt  }
0x4f: {  	_ =	shalt  }
0x50: {  	_ =	shalt  }
0x51: {  	_ =	shalt  }
0x52: {  	_ =	shalt  }
0x53: {  	_ =	shalt  }
0x54: {  	_ =	shalt  }
0x55: {  	_ =	shalt  }
0x56: {  	_ =	shalt  }
0x57: {  	_ =	shalt  }
0x58: {  	_ =	shalt  }
0x59: {  	_ =	shalt  }
0x5a: {  	_ =	shalt  }
0x5b: {  	_ =	shalt  }
0x5c: {  	_ =	shalt  }
0x5d: {  	_ =	shalt  }
0x5e: {  	_ =	shalt  }
0x5f: {  	_ =	shalt  }
0x60: {  	_ =	shalt  }
0x61: {  	_ =	shalt  }
0x62: {  	_ =	shalt  }
0x63: {  	_ =	shalt  }
0x64: {  	_ =	shalt  }
0x65: {  	_ =	shalt  }
0x66: {  	_ =	shalt  }
0x67: {  	_ =	shalt  }
0x68: {  	_ =	shalt  }
0x69: {  	_ =	shalt  }
0x6a: {  	_ =	shalt  }
0x6b: {  	_ =	shalt  }
0x6c: {  	_ =	shalt  }
0x6d: {  	_ =	shalt  }
0x6e: {  	_ =	shalt  }
0x6f: {  	_ =	shalt  }
0x70: {  	_ =	shalt  }
0x71: {  	_ =	shalt  }
0x72: {  	_ =	shalt  }
0x73: {  	_ =	shalt  }
0x74: {  	_ =	shalt  }
0x75: {  	_ =	shalt  }
0x76: {  	_ =	shalt  }
0x77: {  	_ =	shalt  }
0x78: {  	_ =	shalt  }
0x79: {  	_ =	shalt  }
0x7a: {  	_ =	shalt  }
0x7b: {  	_ =	shalt  }
0x7c: {  	_ =	shalt  }
0x7d: {  	_ =	shalt  }
0x7e: {  	_ =	shalt  }
0x7f: {  	_ =	shalt  }
0x80: {  	_ =	shalt  }
0x81: {  	_ =	shalt  }
0x82: {  	_ =	shalt  }
0x83: {  	_ =	shalt  }
0x84: {  	_ =	shalt  }
0x85: {  	_ =	shalt  }
0x86: {  	_ =	shalt  }
0x87: {  	_ =	shalt  }
.Lfunc_end0:
.L_simem_size_0:
called_computation_lowered:
.L_overlay_start_0:
0x88: {  	s2 =	sld [smem:$0x3FD9]  }
0x89: {  	s3 =	sld [smem:$0x3FFE];
	_ =	sdelay $0x1  }
0x8a: {  	s1 =	srdreg.scid  }
0x8b: {  	s0 =	sand.u32 $0x1, s1  }
0x8c: {  	s17 =	sshll.u32 s0, $0xA;
	s2 =	sadd.s32 s3, s2  }
0x8d: {  	s2 =	sadd.s32 s2, s17  }
0x8e: {  	[smem:$0x3FC0] =	sst s2  }
0x8f: {  	_ = 	snop  }
0x90: {  	s2 =	sld [smem:$0x3FC4];
	(tm) =	ssettm $0x1  }
0x91: {  	s18 =	sld [smem:$0x3FFB];
	_ =	sdelay $0x3  }
0x92: {  	_ =	strace s18  }
0x93: {  	s3 =	sld [smem:$0x3FFC];
	_ =	sdelay $0x3  }
0x94: {  	_ =	strace s3  }
0x95: {  	s3 =	sld [smem:$0x3FFD];
	_ =	sdelay $0x3  }
0x96: {  	_ =	strace s3  }
0x97: {  	_ =	strace $0x8FFFFFFF  }
0x98: {  	s19 =	sld [smem:$0x3FDB];
	_ =	sdelay $0x1  }
0x99: {  	s4 =	simm.s32 $_scs_section_size  }
0x9a: {  	s5 =	simm.s32 $_size__tile_overlayer_lowered;
	s6 =	simm.s32 $_tile_overlayer_lowered  }
0x9b: {  	s22 =	simm.s32 $0x1BFF;
	s21 =	sshll.u32 s6, $0x1;
	s3 =	sadd.s32 s4, s19  }
0x9c: {  	s7 =	simm.s32 $0x0;
	s20 =	sshll.u32 s5, $0x1;
	s5 =	sadd.s32 s21, s3  }
0x9d: {  	[timem:s7], [sflag:s22] =	dma.local [hbm:s5], s20  }
0x9e: {  	_ =	swait.ge [sflag:s22], s20  }
0x9f: {  	s4 =	ssub.s32 $0x0, s20;
	[sflag:s22] =	ssyncset.done $0x0  }
0xa0: {  	[sflag:s22] =	ssyncadd.s32 s4;
	_ =	sdelay $0x1  }
0xa1: {  	s23 =	simm.s32 $0x1B8B  }
0xa2: {  	_ =	swait.ge [sflag:s23], $0x1  }
0xa3: {  	[sflag:s23] =	ssyncset.done $0x0  }
0xa4: {  	s25 =	simm.s32 $0x1B8E;
	s24 =	sld [smem:$0x3FFE];
	[sflag:s23] =	ssyncadd.s32 $0xFFFFFFFF  }
0xa5: {  	s26 =	simm.s32 $execute0_lowered;
	[smem:$0x3FD2] =	sst s25  }
0xa6: {  	s5 =	sshll.u32 s26, $0x1;
	_ =	strace $0x80000046;
	[dreg:$0x1] =	wrdreg $0xFFFFFFFF  }
0xa7: {  	s28 =	simm.s32 $_size_execute0_lowered;
	s3 =	sadd.s32 s3, s5;
	[dreg:$0x0] =	wrdreg $0x0  }
0xa8: {  	s5 =	sshll.u32 s28, $0x1;
	[dreg:$0x2] =	wrdreg s3  }
0xa9: {  	[dreg:$0x3] =	wrdreg s5  }
0xaa: {  	[dreg:$0x4] =	wrdreg $0xC0  }
0xab: {  	_ =	task [dreg:s7], $0x5FFFF  }
0xac: {  	[dreg:$0x1] =	wrdreg $0xFFFFFFFF  }
0xad: {  	[dreg:$0x0] =	wrdreg $0x60  }
0xae: {  	[dreg:$0x2] =	wrdreg s2  }
0xaf: {  	[dreg:$0x3] =	wrdreg s24  }
0xb0: {  	[dreg:$0x4] =	wrdreg $0x9  }
0xb1: {  	_ =	task.clear_ibuf [dreg:s7], $0x5FFFF;
	_ =	strace $0x90000046  }
0xb2: {  	s29 =	simm.s32 $0x9;
	_ =	strace $0x80000048  }
0xb3: {  	_ =	swait.ge [sflag:s29], $0x1  }
0xb4: {  	[sflag:s29] =	ssyncadd.s32 $0xFFFFFFFF  }
0xb5: {  	_ =	strace $0x90000048  }
0xb6: {  	_ =	sfence  }
0xb7: {  	s30 =	sld [smem:$0x0];
	_ =	sdelay $0x2  }
0xb8: {  	s31 =	sshll.u32 s1, $0xD;
	s1 =	sshrl.u32 s1, $0x2  }
0xb9: {  	s3 =	sand.u32 $0x4000, s31;
	s1 =	sadd.s32 s1, s30  }
0xba: {  	s0 =	sor.u32 s3, s0;
	s1 =	sshll.u32 s1, $0x11  }
0xbb: {  	s0 =	sor.u32 s1, s0  }
0xbc: {  	s0 =	sadd.s32 $0x8F2B, s0  }
0xbd: {  	[sflag:s0] =	ssyncadd.remote.s32 $0x1  }
0xbe: {  	_ =	sfence.sel $0xFFFF  }
0xbf: {  	[dreg:$0x0] =	wrdreg $0xFFFFFFFF;
	(pc) =	sbr.abs _section_cstart, $3  }
0xc0: {  	[dreg:$0x1] =	wrdreg $0xFFFFFFFF  }
0xc1: {  	_ =	task.clear_ibuf [dreg:s7], $0x2FFFF;
	_ =	strace $0x9FFFFFFF  }
0xc2: {  	(tm) =	ssettm $0x7FFFFFFF  }
0xc3: {  	_ =	shalt  }
tec
execute0_lowered:
.L_overlay_start_1:
0x0: {  	(tag) =	ssettag $0x1  }
0x1: {  	s1 =	srdreg.scid;
	s2 =	rddreg [dreg:$0x0]  }
0x2: {  	s0 =	stileid.u32;
	s5 =	rddreg [dreg:$0x1];
	s6 =	simm.s32 $0x1  }
0x3: {  	s9 =	simm.s32 $0x1;
	s10 =	simm.s32 $0x3;
	s1 =	sshll.u32 s1, $0x7  }
0x4: {  	s13 =	simm.s32 $0x0;
	s3 =	sshll.u32 s0, $0x8;
	s4 =	sand.u32 $0x80, s1  }
0x5: {  	s12 =	simm.s32 $0x0;
	s1 =	rddreg [dreg:$0x2];
	s3 =	sor.u32 s3, s4  }
0x6: {  	_ =	strace $0x80000047;
	s4 =	sadd.s32 $0x1000, s5;
	s8 =	ssub.s32 $0x2000, s3  }
.Ltmp0:
0x7: {  	s5 =	sadd.s32 $0x1400, s5;
	s7 =	sand.u32 $0xF80, s8;
	(pc) =	sbr.rel .LBB2_1-.Ltmp0, $4  }
0x8: {  	[sflag:s6] =	ssyncpa.u1 $0x0;
	s11 =	smov.u32 s3;
	p0 =	sne.s32 s7, $0x0  }
0x9: {  	s8 =	sshrl.u32 s8, $0xC;
	s7 =	simm.s32 $0x2;
	s9 =	simm.s32 @!p0 $0x0  }
0xa: {  	[sflag:s7] =	ssyncpa.u1 $0x0;
	p0 =	por $0x0, $0x0;
	s8 =	sadd.s32 s9, s8  }
0xb: {  	vm0 =	vmmov $0xffff;
	[sflag:s10] =	ssyncpa.u1 $0x0;
	s10 =	simm.s32 $0x0;
	s9 =	sadd.s32 $0x1, s8  }
.LBB2_4:
0xc: {  	v3 =	vand.u32 $0xFFF, v0;
	v2 =	vand.u32 $0x1F, v2;
	v62 =	vshll.u32 v0, $0x5  }
0xd: {  	v3 =	vsel vm1, $0xFFFFFFFF, v3;
	v2 =	vsel vm1, $0xFFFFFFFF, v2;
	v0 =	vand.u32 $0x7E0000, v62  }
0xe: {  	v4 =	vand.u32 $0x7F, v3;
	v0 =	vsel vm1, $0xFFFE0000, v0;
	v3 =	vshll.u32 v3, $0x3  }
0xf: {  	v5 =	vshll.u32 v2, $0xC;
	v3 =	vand.u32 $0xFFFFFC00, v3;
	v0 =	vor.u32 v0, v4  }
0x10: {  	v2 =	vshll.u32 v2, $0x7;
	v63 =	vand.u32 $0xFFFF8000, v5;
	v0 =	vadd.s32 v3, v0  }
0x11: {  	v2 =	vand.u32 $0x380, v2;
	v0 =	vadd.s32 v63, v0  }
0x12: {  	v0 =	vor.u32 v2, v0;
	_ =	sdelay $0x1  }
0x13: {  	(ifvalue) =	ssetifvalue $0x7FFFFFFF;
	s14 =	sadd.s32 $0x10, s14  }
0x14: {  	[tilespmem:s14], [sflag:$0x1] =	stream.indirect_vreg.gather [hbm4b:s2+s10], $0x1, v1, vm0, $0x4038;
	[tilespmem:$0x200] =	vst v63  }
0x15: {  	(ifvalue) =	ssetifvalue $0x7FFFFFFF;
	s14 =	sadd.s32 $0x10, s14  }
0x16: {  	[tilespmem:s14], [sflag:$0x1] =	stream.indirect_vreg.gather [hbm4b:s2+s10], $0x1, v0, vm0, $0x4038;
	[tilespmem:$0x200] =	vst v63  }
0x17: {  	_ =	swait.ge [sflag:s6], $0x80  }
0x18: {  	s30 =	sshrl.u32 s13, $0x3;
	[sflag:s6] =	ssyncset.done $0x0  }
0x19: {  	s31 =	sand.u32 $0x7, s13;
	s14 =	sadd.s32 s5, s30;
	[sflag:s6] =	ssyncadd.s32 $0xFFFFFF80  }
0x1a: {  	[hbm4b:s14+s31] =	stream.linear.scatter [tilespmem:s15], [sflag:$0x3], $0x80, $0x38;
	[tilespmem:$0x200] =	vst v63  }
.LBB2_5:
0x1b: {  	s15 =	sadd.s32 $0x1000, s11  }
0x1c: {  	p2 =	sgt.s32 s15, $0x1FFF  }
0x1d: {  	s15 =	smov.u32 @p2 s3;
	p2 =	sne.s32 s12, s9  }
.Ltmp1:
0x1e: {  	p1 =	slt.u32 s12, $0x2;
	(pc) =	sbr.rel @!p2 .LBB2_6-.Ltmp1, $4  }
0x1f: {  	s14 =	simm.s32 @!p1 $0x3  }
0x20: {  	s16 =	sadd.s32 $0x1, s12;
	_ =	swait.ge @!p1 [sflag:s14], $0x80  }
0x21: {  	s13 =	smov.u32 s11;
	p0 =	por !p0, !p0;
	[sflag:s14] =	ssyncset.done @!p1 $0x0  }
0x22: {  	s12 =	smov.u32 s16;
	s11 =	smov.u32 s15;
	[sflag:s14] =	ssyncadd.s32 @!p1 $0xFFFFFF80  }
.LBB2_1:
0x23: {  	p1 =	sge.u32 s12, s8  }
0x24: {  	s14 =	sxor.u32 @!p1 $0xFFFFFFFF, s12  }
0x25: {  	s31 =	sadd.s32 $0xFFFFFFFF, s12;
	s15 =	sshrl.u32 @!p1 s11, $0x3;
	s14 =	sshll.u32 @!p1 s14, $0x7  }
0x26: {  	s16 =	sand.u32 @!p1 $0x7, s11;
	s15 =	sadd.s32 @!p1 s4, s15;
	s14 =	sand.u32 @!p1 $0x80, s14  }
0x27: {  	[tilespmem:s14], [sflag:$0x2] =	stream.linear.gather @!p1 [hbm4b:s15+s16], $0x80, $0x38;
	[tilespmem:$0x200] =	vst v63  }
0x28: {  	p1 =	sge.u32 s31, s8  }
.Ltmp2:
0x29: {  	_ = 	snop;
	(pc) =	sbr.rel @p1 .LBB2_5-.Ltmp2, $1  }
0x2a: {  	_ =	sdelay $0x3  }
0x2b: {  	s14 =	simm.s32 $0x1  }
0x2c: {  	_ =	swait.ge [sflag:s7], $0x80;
	s14 =	simm.s32 @!p0 $0x0  }
0x2d: {  	[sflag:s7] =	ssyncset.done $0x0;
	s14 =	sshll.u32 s14, $0x7  }
0x2e: {  	[sflag:s7] =	ssyncadd.s32 $0xFFFFFF80;
	(ifvalue) =	ssetifvalue $0x7FFFFFFF;
	v0 =	vld.msk [tilespmem:s14+$0x0 ss:$0x1], $0xffff;
	_ =	sdelay $0x1  }
0x2f: {  	s15 =	sadd.s32 $0x10, s14  }
0x30: {  	v3 =	vld.msk [tilespmem:s15+$0x0 ss:$0x1], $0xffff;
	_ =	sdelay $0x1  }
0x31: {  	vm1 =	veq.s32 v0, $0x80000000  }
0x32: {  	v1 =	vshrl.u32 v0, $0x12;
	v2 =	vand.u32 $0xFFF, v0;
	v0 =	vshll.u32 v0, $0x5  }
0x33: {  	v1 =	vand.u32 $0x1F, v1;
	v2 =	vsel vm1, $0xFFFFFFFF, v2;
	v0 =	vand.u32 $0x7E0000, v0  }
0x34: {  	v61 =	vand.u32 $0xFFF, v3;
	v1 =	vsel vm1, $0xFFFFFFFF, v1;
	v4 =	vand.u32 $0x7F, v2  }
0x35: {  	v0 =	vsel vm1, $0xFFFE0000, v0;
	v2 =	vshll.u32 v2, $0x3;
	vm1 =	veq.s32 v3, $0x80000000  }
0x36: {  	v5 =	vshll.u32 v1, $0xC;
	v2 =	vand.u32 $0xFFFFFC00, v2;
	v0 =	vor.u32 v0, v4  }
0x37: {  	v1 =	vshll.u32 v1, $0x7;
	v60 =	vand.u32 $0xFFFF8000, v5;
	v0 =	vadd.s32 v2, v0  }
0x38: {  	v4 =	vsel vm1, $0xFFFFFFFF, v61;
	v1 =	vand.u32 $0x380, v1;
	v0 =	vadd.s32 v60, v0  }
0x39: {  	s17 =	sadd.s32 $0x10, s15;
	v2 =	vshrl.u32 v3, $0x12;
	v3 =	vshll.u32 v3, $0x5;
	v1 =	vor.u32 v1, v0  }
0x3a: {  	v62 =	vand.u32 $0x7F, v4;
	v2 =	vand.u32 $0x1F, v2;
	v3 =	vand.u32 $0x7E0000, v3;
	v0 =	vld.msk [tilespmem:s17+$0x0 ss:$0x1], $0xffff  }
0x3b: {  	v4 =	vshll.u32 v4, $0x3;
	v2 =	vsel vm1, $0xFFFFFFFF, v2;
	v3 =	vsel vm1, $0xFFFE0000, v3  }
0x3c: {  	s31 =	sshll.u32 s12, $0x7;
	v4 =	vand.u32 $0xFFFFFC00, v4;
	v6 =	vshll.u32 v2, $0xC;
	v3 =	vor.u32 v3, v62  }
0x3d: {  	s14 =	sor.u32 $0x100, s14;
	s15 =	sand.u32 $0x80, s31;
	(ifvalue) =	ssetifvalue $0x7FFFFFFF;
	v2 =	vshll.u32 v2, $0x7;
	v63 =	vand.u32 $0xFFFF8000, v6;
	v3 =	vadd.s32 v4, v3  }
0x3e: {  	v3 =	vadd.s32 v63, v3;
	[tilespmem:s14], [sflag:$0x1] =	stream.indirect_vreg.gather [hbm4b:s2+s10], $0x1, v1, vm0, $0x4038;
	v1 =	vand.u32 $0x380, v2;
	[tilespmem:$0x200] =	vst v63  }
0x3f: {  	s16 =	simm.s32 $0x20;
	s15 =	sor.u32 $0x100, s15;
	s17 =	sadd.s32 $0x10, s17;
	vm1 =	veq.s32 v0, $0x80000000;
	v2 =	vshrl.u32 v0, $0x12;
	v1 =	vor.u32 v1, v3  }
.LBB2_3:
0x40: {  	v3 =	vand.u32 $0xFFF, v0;
	v2 =	vand.u32 $0x1F, v2;
	v4 =	vshll.u32 v0, $0x5;
	v0 =	vld.msk [tilespmem:s17+$0x0 ss:$0x1], $0xffff;
	s16 =	sadd.s32 $0x10, s16  }
0x41: {  	v3 =	vsel vm1, $0xFFFFFFFF, v3;
	v2 =	vsel vm1, $0xFFFFFFFF, v2;
	v4 =	vand.u32 $0x7E0000, v4;
	p1 =	slt.u32 s16, $0x70  }
.Ltmp3:
0x42: {  	v5 =	vand.u32 $0x7F, v3;
	v4 =	vsel vm1, $0xFFFE0000, v4;
	v3 =	vshll.u32 v3, $0x3;
	(pc) =	sbr.rel @p1 .LBB2_3-.Ltmp3, $4  }
0x43: {  	s14 =	sadd.s32 $0x10, s14;
	v6 =	vshll.u32 v2, $0xC;
	v3 =	vand.u32 $0xFFFFFC00, v3;
	v4 =	vor.u32 v4, v5;
	(ifvalue) =	ssetifvalue $0x7FFFFFFF  }
0x44: {  	v2 =	vshll.u32 v2, $0x7;
	v5 =	vand.u32 $0xFFFF8000, v6;
	v3 =	vadd.s32 v3, v4;
	[tilespmem:s14], [sflag:$0x1] =	stream.indirect_vreg.gather [hbm4b:s2+s10], $0x1, v1, vm0, $0x4038;
	[tilespmem:$0x200] =	vst v63  }
0x45: {  	v1 =	vand.u32 $0x380, v2;
	v3 =	vadd.s32 v5, v3  }
0x46: {  	s17 =	sadd.s32 $0x10, s17;
	vm1 =	veq.s32 v0, $0x80000000;
	v2 =	vshrl.u32 v0, $0x12;
	v1 =	vor.u32 v1, v3  }
.Ltmp4:
0x47: {  	_ = 	snop;
	(pc) =	sbr.rel .LBB2_4-.Ltmp4, $1  }
0x48: {  	_ =	sdelay $0x3  }
.LBB2_6:
0x49: {  	_ =	sfence.sel $0x180000  }
0x4a: {  	s2 =	simm.s32 $0x2;
	[bflag:$0x0] =	sbarrier.arrive $0xFFFF  }
0x4b: {  	s30 =	simm.s32 $0x3;
	[sflag:s2] =	ssyncpa.u1 $0x1  }
0x4c: {  	s31 =	simm.s32 $0x1;
	[sflag:s30] =	ssyncpa.u1 $0x1  }
0x4d: {  	[sflag:s31] =	ssyncpa.u1 $0x1  }
0x4e: {  	p0 =	sne.s32 s0, $0x0;
	_ =	strace $0x90000047  }
0x4f: {  	s0 =	sadd.s32 @!p0 $0x100000, s1;
	[bflag:$0x2] =	sbarrier.arrive $0xFFFF  }
0x50: {  	[sflag:s0] =	ssyncadd.tile.s32 @!p0 $0x1;
	_ =	shalt  }
.Lfunc_end2:
_tile_overlayer_lowered:
.L_overlay_start_2:
0x51: {  	(tag) =	ssettag $0x2  }
0x52: {  	s0 =	rddreg [dreg:$0x0];
	s2 =	stileid.u32  }
0x53: {  	s1 =	rddreg [dreg:$0x1];
	p0 =	sne.s32 s2, $0x0  }
0x54: {  	s3 =	rddreg [dreg:$0x2];
	[bflag:$0x3] =	sbarrier.arrive $0xFFFF;
	s2 =	simm.s32 @!p0 $0x1C01  }
0x55: {  	[timem:s3], [sflag:s2] =	dma.local @!p0 [hbm:s0], s1  }
0x56: {  	s0 =	simm.s32 @!p0 $0x1  }
0x57: {  	_ =	swait.ge @!p0 [sflag:s0], s1  }
0x58: {  	s1 =	ssub.s32 @!p0 $0x0, s1;
	[sflag:s0] =	ssyncset.done @!p0 $0x0  }
0x59: {  	[sflag:s0] =	ssyncadd.s32 @!p0 s1  }
0x5a: {  	[bflag:$0x3] =	sbarrier.arrive $0xFFFF  }
0x5b: {  	_ =	shalt  }

</sc_bundles>
